<compile_context>
chip_gen: v7x
topology: tpu7x:2x2x1
jax: 0.10.2.dev20260603
libtpu: 0.0.44.dev20260713+nightly
codegen_flags: <defaults>
</compile_context>

<pallas_src>
import functools

import jax
import jax.numpy as jnp
from jax import lax
from jax.experimental import pallas as pl
from jax.experimental.pallas import tpu as pltpu
from jax.experimental.pallas import tpu_sc as plsc

MIN_NORM = 1e-15
EPS = 4e-3
N, E, D = 10000, 320000, 128
C = 1.0

NC, NS = 2, 16
NW = NC * NS
K = 112
NCHUNK = 90
EPW = NCHUNK * K
EPAD = NW * EPW
ROWS_PER_TILE = 632
NPAD = NS * ROWS_PER_TILE


def _artanh(x):
    x = jnp.clip(x, -1.0 + 1e-7, 1.0 - 1e-7)
    return 0.5 * (jnp.log1p(x) - jnp.log1p(-x))


def _norm(x):
    return jnp.clip(
        jnp.sqrt(jnp.sum(x * x, axis=-1, keepdims=True)), MIN_NORM, None)


def _proj(x):
    norm = _norm(x)
    maxnorm = (1.0 - EPS)
    return jnp.where(norm > maxnorm, x / norm * maxnorm, x)


def _expmap0(u):
    u_norm = _norm(u)
    return jnp.tanh(u_norm) * u / u_norm


def _logmap0(p):
    p_norm = _norm(p)
    return _artanh(p_norm) * p / p_norm


def _mobius_add(x, y):
    x2 = jnp.sum(x * x, axis=-1, keepdims=True)
    y2 = jnp.sum(y * y, axis=-1, keepdims=True)
    xy = jnp.sum(x * y, axis=-1, keepdims=True)
    num = (1.0 + 2.0 * xy + y2) * x + (1.0 - x2) * y
    denom = 1.0 + 2.0 * xy + x2 * y2
    return num / jnp.clip(denom, MIN_NORM, None)


def _tc_pre_body(x_ref, w_ref, b_ref, o_ref):
    x = x_ref[...]
    w = w_ref[...]
    mx = lax.dot_general(
        x, w, (((1,), (1,)), ((), ())),
        preferred_element_type=jnp.float32,
        precision=lax.Precision.DEFAULT)
    x_norm = _norm(x)
    mx_norm = _norm(mx)
    res_c = jnp.tanh(mx_norm / x_norm * _artanh(x_norm)) * mx / mx_norm
    cond = jnp.all(mx == 0.0, axis=-1, keepdims=True)
    res = _proj(jnp.where(cond, 0.0, res_c))
    hyp_bias = _proj(_expmap0(b_ref[...]))
    res = _proj(_mobius_add(res, hyp_bias))
    o_ref[...] = _logmap0(res)


def _tc_post_body(p_ref, o_ref):
    agg = p_ref[0] + p_ref[1]
    h = _proj(_expmap0(agg))
    xt2 = jax.nn.relu(_logmap0(h))
    o_ref[...] = _proj(_expmap0(xt2))


def _sc_agg_body(xt_hbm, i_hbm, z_hbm, out_hbm,
                 idx_v, rows_v, acc_sh, gsem, ssem, isem):
    cid = lax.axis_index("c")
    sid = lax.axis_index("s")
    wid = sid * NC + cid

    row0 = sid * ROWS_PER_TILE
    pltpu.sync_copy(z_hbm.at[pl.ds(0, ROWS_PER_TILE)],
                    acc_sh.at[pl.ds(row0, ROWS_PER_TILE)])

    plsc.subcore_barrier()

    def slot(i):
        return rows_v.at[pl.ds((i % 3) * K, K)]

    def drain_rows(sem):
        pltpu.make_async_copy(xt_hbm.at[pl.ds(0, K)],
                              rows_v.at[pl.ds(0, K)], sem).wait()

    def drain_idx(sem):
        pltpu.make_async_copy(i_hbm.at[wid, 0], idx_v.at[0], sem).wait()

    def st_drain_s(i):
        drain_rows(ssem.at[(i - 4) % 3])

    def st_idx(i):
        pltpu.make_async_copy(
            i_hbm.at[wid, i], idx_v.at[i % 4], isem.at[i % 2]).start()

    def st_gather(i):
        drain_idx(isem.at[(i - 1) % 2])
        pltpu.make_async_copy(
            xt_hbm.at[idx_v.at[(i - 1) % 4, 0]], slot(i - 1),
            gsem.at[(i - 1) % 2]).start()

    def st_scatter(i):
        drain_rows(gsem.at[(i - 2) % 2])
        pltpu.make_async_copy(
            slot(i - 2), acc_sh.at[idx_v.at[(i - 2) % 4, 1]],
            ssem.at[(i - 2) % 3]).start(add=True)

    st_idx(0)
    st_idx(1); st_gather(1)
    st_idx(2); st_gather(2); st_scatter(2)
    st_idx(3); st_gather(3); st_scatter(3)

    def step(i, _):
        st_drain_s(i)
        st_idx(i)
        st_gather(i)
        st_scatter(i)
        return _

    lax.fori_loop(4, NCHUNK, step, None)

    st_drain_s(NCHUNK); st_gather(NCHUNK); st_scatter(NCHUNK)
    st_drain_s(NCHUNK + 1); st_scatter(NCHUNK + 1)
    drain_rows(ssem.at[(NCHUNK - 2) % 3])
    drain_rows(ssem.at[(NCHUNK - 1) % 3])

    plsc.subcore_barrier()

    pltpu.sync_copy(acc_sh.at[pl.ds(row0, ROWS_PER_TILE)],
                    out_hbm.at[cid].at[pl.ds(row0, ROWS_PER_TILE)])


@functools.cache
def _sc_agg():
    return pl.kernel(
        _sc_agg_body,
        out_type=jax.ShapeDtypeStruct((NC, NPAD, D), jnp.float32),
        mesh=plsc.VectorSubcoreMesh(core_axis_name="c", subcore_axis_name="s",
                                    num_cores=NC, num_subcores=NS),
        scratch_types=[
            pltpu.VMEM((4, 2, K), jnp.int32),
            pltpu.VMEM((3 * K, D), jnp.float32),
            pltpu.VMEM_SHARED((NPAD, D), jnp.float32),
            pltpu.SemaphoreType.DMA((2,)),
            pltpu.SemaphoreType.DMA((3,)),
            pltpu.SemaphoreType.DMA((2,)),
        ],
    )


@jax.jit
def kernel(x, adj, weight, bias):
    blk = 2000
    grid = N // blk

    xt = pl.pallas_call(
        _tc_pre_body,
        grid=(grid,),
        in_specs=[
            pl.BlockSpec((blk, D), lambda i: (i, 0)),
            pl.BlockSpec((D, D), lambda i: (0, 0)),
            pl.BlockSpec((1, D), lambda i: (0, 0)),
        ],
        out_specs=pl.BlockSpec((blk, D), lambda i: (i, 0)),
        out_shape=jax.ShapeDtypeStruct((N, D), jnp.float32),
    )(x, weight, bias.reshape(1, D))

    npad_e = EPAD - E
    pad_s = jnp.arange(npad_e, dtype=jnp.int32) % N
    pad_r = N + jnp.arange(npad_e, dtype=jnp.int32) % (NPAD - N)
    s3 = jnp.concatenate([adj[0].astype(jnp.int32), pad_s]).reshape(
        NW, NCHUNK, K)
    r3 = jnp.concatenate([adj[1].astype(jnp.int32), pad_r]).reshape(
        NW, NCHUNK, K)
    i4 = jnp.stack([s3, r3], axis=2)
    zeros = jnp.zeros((ROWS_PER_TILE, D), jnp.float32)

    partials = _sc_agg()(xt, i4, zeros)

    out = pl.pallas_call(
        _tc_post_body,
        grid=(grid,),
        in_specs=[pl.BlockSpec((NC, blk, D), lambda i: (0, i, 0))],
        out_specs=pl.BlockSpec((blk, D), lambda i: (i, 0)),
        out_shape=jax.ShapeDtypeStruct((N, D), jnp.float32),
    )(partials)

    return (out, adj)

# --- scband reference (transcript-rebuilt; emitter-appended) ---
"""Pipeline reference for scband-hgcnlayer-46832323395931 (READ-ONLY COPY).

The authoritative reference and input builder live on the scoring server;
editing this copy changes nothing except your own understanding.
"""

import jax, jax.numpy as jnp
import numpy as np

MIN_NORM = 1e-15
EPS = 4e-3
N, E, D = 10000, 320000, 128
C_IN, C_OUT = 1.0, 1.0


def artanh(x):
    x = jnp.clip(x, -1.0 + 1e-7, 1.0 - 1e-7)
    return 0.5 * (jnp.log1p(x) - jnp.log1p(-x))


def proj(x, c):
    norm = jnp.clip(jnp.linalg.norm(x, axis=-1, keepdims=True), MIN_NORM, None)
    maxnorm = (1.0 - EPS) / jnp.sqrt(c)
    return jnp.where(norm > maxnorm, x / norm * maxnorm, x)


def proj_tan0(u, c):
    return u


def expmap0(u, c):
    sqrt_c = jnp.sqrt(c)
    u_norm = jnp.clip(jnp.linalg.norm(u, axis=-1, keepdims=True), MIN_NORM, None)
    return jnp.tanh(sqrt_c * u_norm) * u / (sqrt_c * u_norm)


def logmap0(p, c):
    sqrt_c = jnp.sqrt(c)
    p_norm = jnp.clip(jnp.linalg.norm(p, axis=-1, keepdims=True), MIN_NORM, None)
    return artanh(sqrt_c * p_norm) * p / (sqrt_c * p_norm)


def mobius_add(x, y, c):
    x2 = jnp.sum(x * x, axis=-1, keepdims=True)
    y2 = jnp.sum(y * y, axis=-1, keepdims=True)
    xy = jnp.sum(x * y, axis=-1, keepdims=True)
    num = (1.0 + 2.0 * c * xy + c * y2) * x + (1.0 - c * x2) * y
    denom = 1.0 + 2.0 * c * xy + c * c * x2 * y2
    return num / jnp.clip(denom, MIN_NORM, None)


def mobius_matvec(m, x, c):
    sqrt_c = jnp.sqrt(c)
    x_norm = jnp.clip(jnp.linalg.norm(x, axis=-1, keepdims=True), MIN_NORM, None)
    mx = x @ m.T
    mx_norm = jnp.clip(jnp.linalg.norm(mx, axis=-1, keepdims=True), MIN_NORM, None)
    res_c = jnp.tanh(mx_norm / x_norm * artanh(sqrt_c * x_norm)) * mx / (mx_norm * sqrt_c)
    cond = jnp.all(mx == 0.0, axis=-1, keepdims=True)
    return jnp.where(cond, jnp.zeros_like(res_c), res_c)


def setup_inputs(seed: int = 0) -> dict:
    key = jax.random.key(seed)
    k1, k2, k3, k4 = jax.random.split(key, 4)
    x = 0.1 * jax.random.normal(k1, (N, D), dtype=jnp.float32)
    x = proj(x, C_IN)
    adj = jax.random.randint(k2, (2, E), 0, N).astype(jnp.int64)
    limit = float(np.sqrt(6.0 / (D + D)))
    weight = jax.random.uniform(k3, (D, D), dtype=jnp.float32, minval=-limit, maxval=limit)
    bias = 0.01 * jax.random.normal(k4, (D,), dtype=jnp.float32)
    return {"x": x, "adj": adj, "weight": weight, "bias": bias}


def reference(x, adj, weight, bias):
    # HypLinear (p=0 so dropout is identity on weight)
    mv = mobius_matvec(weight, x, C_IN)
    res = proj(mv, C_IN)
    b = proj_tan0(bias.reshape(1, -1), C_IN)
    hyp_bias = proj(expmap0(b, C_IN), C_IN)
    res = proj(mobius_add(res, hyp_bias, C_IN), C_IN)
    # HypAgg (use_att=False): log-map, gather from src, scatter-add to dst, exp-map
    xt = logmap0(res, C_IN)
    s, r = adj[0], adj[1]
    x_s = xt[s]
    x_agg = jax.ops.segment_sum(x_s, r, num_segments=N)
    h = proj(expmap0(x_agg, C_IN), C_IN)
    # HypAct with relu
    xt2 = jax.nn.relu(logmap0(h, C_IN))
    xt2 = proj_tan0(xt2, C_OUT)
    out = proj(expmap0(xt2, C_OUT), C_OUT)
    return (out, adj)

if __name__ == "__main__":
    import jax
    _d = setup_inputs()
    print(jax.jit(kernel)(*tuple(_d.values())))

</pallas_src>

<mosaic_0001>
#map = affine_map<(d0, d1) -> (0, 0)>
#map1 = affine_map<(d0, d1) -> (0, 0, 0, 0)>
#map2 = affine_map<(d0, d1) -> (0, 0, 0)>
module attributes {stable_mosaic.version = 14 : i64} {
  func.func @_sc_agg_body(%arg0: i32, %arg1: i32, %arg2: memref<10000x128xf32, #tpu.memory_space<hbm>>, %arg3: memref<32x90x2x112xi32, #tpu.memory_space<hbm>>, %arg4: memref<632x128xf32, #tpu.memory_space<hbm>>, %arg5: memref<2x10112x128xf32, #tpu.memory_space<hbm>>, %arg6: memref<4x2x112xi32, #tpu.memory_space<vmem>>, %arg7: memref<336x128xf32, #tpu.memory_space<vmem>>, %arg8: memref<10112x128xf32, #tpu.memory_space<vmem_shared>>, %arg9: memref<2x!tpu.dma_semaphore, #tpu.memory_space<semaphore_mem>>, %arg10: memref<3x!tpu.dma_semaphore, #tpu.memory_space<semaphore_mem>>, %arg11: memref<2x!tpu.dma_semaphore, #tpu.memory_space<semaphore_mem>>) attributes {dimension_semantics = [#tpu.dimension_semantics<core_parallel>, #tpu.dimension_semantics<subcore_parallel>], iteration_bounds = array<i64: 2, 16>, scalar_prefetch = 0 : i64, scratch_operands = 6 : i64, tpu.core_type = #tpu.core_type<sc_vector_subcore>, window_params = [{transform_indices = #map}, {transform_indices = #map1}, {transform_indices = #map}, {transform_indices = #map2}]} {
    %mul3A = arith.constant 2 : i32
    %mul3A_0 = arith.muli %arg1, %mul3A : i32
    %add3A = arith.addi %mul3A_0, %arg0 : i32
    %mul3A_1 = arith.constant 632 : i32
    %mul3A_2 = arith.muli %arg1, %mul3A_1 : i32
    "tpu.region"() ({
      %run_scoped3A = tpu.sem_alloc : memref<!tpu.dma_semaphore, #tpu.memory_space<semaphore_mem>>
      %dma_start3A_406 = arith.constant 0 : i32
      %dma_start3A_407 = tpu.memref_slice %arg8[%mul3A_2, %dma_start3A_406] : memref<10112x128xf32, #tpu.memory_space<vmem_shared>> -> memref<632x128xf32, #tpu.memory_space<vmem_shared>>
      %dma_start3A_408 = arith.constant 0 : i32
      %dma_start3A_409 = arith.constant 0 : i32
      %dma_start3A_410 = tpu.memref_slice %arg4[%dma_start3A_408, %dma_start3A_409] : memref<632x128xf32, #tpu.memory_space<hbm>> -> memref<632x128xf32, #tpu.memory_space<hbm>>
      tpu.enqueue_dma source(%dma_start3A_410 : memref<632x128xf32, #tpu.memory_space<hbm>>) target(%dma_start3A_407 : memref<632x128xf32, #tpu.memory_space<vmem_shared>>) target_semaphore(%run_scoped3A : memref<!tpu.dma_semaphore, #tpu.memory_space<semaphore_mem>>)
      %dma_wait3A_411 = arith.constant 0 : i32
      %dma_wait3A_412 = tpu.memref_slice %arg8[%mul3A_2, %dma_wait3A_411] : memref<10112x128xf32, #tpu.memory_space<vmem_shared>> -> memref<632x128xf32, #tpu.memory_space<vmem_shared>>
      %dma_wait3A_413 = arith.constant 0 : i32
      %dma_wait3A_414 = arith.constant 0 : i32
      %dma_wait3A_415 = tpu.memref_slice %arg4[%dma_wait3A_413, %dma_wait3A_414] : memref<632x128xf32, #tpu.memory_space<hbm>> -> memref<632x128xf32, #tpu.memory_space<hbm>>
      tpu.wait_dma2 semaphore(%run_scoped3A : memref<!tpu.dma_semaphore, #tpu.memory_space<semaphore_mem>>) src(%dma_wait3A_415 : memref<632x128xf32, #tpu.memory_space<hbm>>) dst(%dma_wait3A_412 : memref<632x128xf32, #tpu.memory_space<vmem_shared>>)
      tpu.yield
    }) : () -> ()
    %barrier3A = arith.constant 0 : index
    tpu.barrier barrier_id(%barrier3A)
    %dma_start3A = arith.constant 0 : i32
    %dma_start3A_3 = arith.constant 0 : i32
    %dma_start3A_4 = arith.constant 0 : i32
    %dma_start3A_5 = arith.constant 0 : i32
    %dma_start3A_6 = arith.constant 0 : i32
    %dma_start3A_7 = tpu.memref_slice %arg6[%dma_start3A_3, %dma_start3A_5, %dma_start3A_6] : memref<4x2x112xi32, #tpu.memory_space<vmem>> -> memref<1x2x112xi32, #tpu.memory_space<vmem>>
    %dma_start3A_8 = tpu.memref_squeeze %dma_start3A_7 : memref<1x2x112xi32, #tpu.memory_space<vmem>> -> memref<2x112xi32, #tpu.memory_space<vmem>>
    %dma_start3A_9 = arith.constant 0 : i32
    %dma_start3A_10 = arith.constant 0 : i32
    %dma_start3A_11 = tpu.memref_slice %arg3[%add3A, %dma_start3A, %dma_start3A_9, %dma_start3A_10] : memref<32x90x2x112xi32, #tpu.memory_space<hbm>> -> memref<1x1x2x112xi32, #tpu.memory_space<hbm>>
    %dma_start3A_12 = tpu.memref_squeeze %dma_start3A_11 : memref<1x1x2x112xi32, #tpu.memory_space<hbm>> -> memref<2x112xi32, #tpu.memory_space<hbm>>
    %dma_start3A_13 = tpu.memref_slice %arg11[%dma_start3A_4] : memref<2x!tpu.dma_semaphore, #tpu.memory_space<semaphore_mem>> -> memref<1x!tpu.dma_semaphore, #tpu.memory_space<semaphore_mem>>
    %dma_start3A_14 = tpu.memref_squeeze %dma_start3A_13 : memref<1x!tpu.dma_semaphore, #tpu.memory_space<semaphore_mem>> -> memref<!tpu.dma_semaphore, #tpu.memory_space<semaphore_mem>>
    %dma_start3A_15 = arith.constant 0 : i32
    %dma_start3A_16 = arith.constant 0 : i32
    %dma_start3A_17 = tpu.memref_slice %arg6[%dma_start3A_3, %dma_start3A_15, %dma_start3A_16] : memref<4x2x112xi32, #tpu.memory_space<vmem>> -> memref<1x2x112xi32, #tpu.memory_space<vmem>>
    %dma_start3A_18 = tpu.memref_squeeze %dma_start3A_17 : memref<1x2x112xi32, #tpu.memory_space<vmem>> -> memref<2x112xi32, #tpu.memory_space<vmem>>
    %dma_start3A_19 = arith.constant 0 : i32
    %dma_start3A_20 = arith.constant 0 : i32
    %dma_start3A_21 = tpu.memref_slice %arg3[%add3A, %dma_start3A, %dma_start3A_19, %dma_start3A_20] : memref<32x90x2x112xi32, #tpu.memory_space<hbm>> -> memref<1x1x2x112xi32, #tpu.memory_space<hbm>>
    %dma_start3A_22 = tpu.memref_squeeze %dma_start3A_21 : memref<1x1x2x112xi32, #tpu.memory_space<hbm>> -> memref<2x112xi32, #tpu.memory_space<hbm>>
    tpu.enqueue_dma source(%dma_start3A_22 : memref<2x112xi32, #tpu.memory_space<hbm>>) target(%dma_start3A_18 : memref<2x112xi32, #tpu.memory_space<vmem>>) target_semaphore(%dma_start3A_14 : memref<!tpu.dma_semaphore, #tpu.memory_space<semaphore_mem>>)
    %dma_start3A_23 = arith.constant 1 : i32
    %dma_start3A_24 = arith.constant 1 : i32
    %dma_start3A_25 = arith.constant 1 : i32
    %dma_start3A_26 = arith.constant 0 : i32
    %dma_start3A_27 = arith.constant 0 : i32
    %dma_start3A_28 = tpu.memref_slice %arg6[%dma_start3A_24, %dma_start3A_26, %dma_start3A_27] : memref<4x2x112xi32, #tpu.memory_space<vmem>> -> memref<1x2x112xi32, #tpu.memory_space<vmem>>
    %dma_start3A_29 = tpu.memref_squeeze %dma_start3A_28 : memref<1x2x112xi32, #tpu.memory_space<vmem>> -> memref<2x112xi32, #tpu.memory_space<vmem>>
    %dma_start3A_30 = arith.constant 0 : i32
    %dma_start3A_31 = arith.constant 0 : i32
    %dma_start3A_32 = tpu.memref_slice %arg3[%add3A, %dma_start3A_23, %dma_start3A_30, %dma_start3A_31] : memref<32x90x2x112xi32, #tpu.memory_space<hbm>> -> memref<1x1x2x112xi32, #tpu.memory_space<hbm>>
    %dma_start3A_33 = tpu.memref_squeeze %dma_start3A_32 : memref<1x1x2x112xi32, #tpu.memory_space<hbm>> -> memref<2x112xi32, #tpu.memory_space<hbm>>
    %dma_start3A_34 = tpu.memref_slice %arg11[%dma_start3A_25] : memref<2x!tpu.dma_semaphore, #tpu.memory_space<semaphore_mem>> -> memref<1x!tpu.dma_semaphore, #tpu.memory_space<semaphore_mem>>
    %dma_start3A_35 = tpu.memref_squeeze %dma_start3A_34 : memref<1x!tpu.dma_semaphore, #tpu.memory_space<semaphore_mem>> -> memref<!tpu.dma_semaphore, #tpu.memory_space<semaphore_mem>>
    %dma_start3A_36 = arith.constant 0 : i32
    %dma_start3A_37 = arith.constant 0 : i32
    %dma_start3A_38 = tpu.memref_slice %arg6[%dma_start3A_24, %dma_start3A_36, %dma_start3A_37] : memref<4x2x112xi32, #tpu.memory_space<vmem>> -> memref<1x2x112xi32, #tpu.memory_space<vmem>>
    %dma_start3A_39 = tpu.memref_squeeze %dma_start3A_38 : memref<1x2x112xi32, #tpu.memory_space<vmem>> -> memref<2x112xi32, #tpu.memory_space<vmem>>
    %dma_start3A_40 = arith.constant 0 : i32
    %dma_start3A_41 = arith.constant 0 : i32
    %dma_start3A_42 = tpu.memref_slice %arg3[%add3A, %dma_start3A_23, %dma_start3A_40, %dma_start3A_41] : memref<32x90x2x112xi32, #tpu.memory_space<hbm>> -> memref<1x1x2x112xi32, #tpu.memory_space<hbm>>
    %dma_start3A_43 = tpu.memref_squeeze %dma_start3A_42 : memref<1x1x2x112xi32, #tpu.memory_space<hbm>> -> memref<2x112xi32, #tpu.memory_space<hbm>>
    tpu.enqueue_dma source(%dma_start3A_43 : memref<2x112xi32, #tpu.memory_space<hbm>>) target(%dma_start3A_39 : memref<2x112xi32, #tpu.memory_space<vmem>>) target_semaphore(%dma_start3A_35 : memref<!tpu.dma_semaphore, #tpu.memory_space<semaphore_mem>>)
    %dma_wait3A = arith.constant 0 : i32
    %dma_wait3A_44 = arith.constant 0 : i32
    %dma_wait3A_45 = arith.constant 0 : i32
    %dma_wait3A_46 = arith.constant 0 : i32
    %dma_wait3A_47 = arith.constant 0 : i32
    %dma_wait3A_48 = tpu.memref_slice %arg6[%dma_wait3A_44, %dma_wait3A_46, %dma_wait3A_47] : memref<4x2x112xi32, #tpu.memory_space<vmem>> -> memref<1x2x112xi32, #tpu.memory_space<vmem>>
    %dma_wait3A_49 = tpu.memref_squeeze %dma_wait3A_48 : memref<1x2x112xi32, #tpu.memory_space<vmem>> -> memref<2x112xi32, #tpu.memory_space<vmem>>
    %dma_wait3A_50 = arith.constant 0 : i32
    %dma_wait3A_51 = arith.constant 0 : i32
    %dma_wait3A_52 = tpu.memref_slice %arg3[%add3A, %dma_wait3A, %dma_wait3A_50, %dma_wait3A_51] : memref<32x90x2x112xi32, #tpu.memory_space<hbm>> -> memref<1x1x2x112xi32, #tpu.memory_space<hbm>>
    %dma_wait3A_53 = tpu.memref_squeeze %dma_wait3A_52 : memref<1x1x2x112xi32, #tpu.memory_space<hbm>> -> memref<2x112xi32, #tpu.memory_space<hbm>>
    %dma_wait3A_54 = tpu.memref_slice %arg11[%dma_wait3A_45] : memref<2x!tpu.dma_semaphore, #tpu.memory_space<semaphore_mem>> -> memref<1x!tpu.dma_semaphore, #tpu.memory_space<semaphore_mem>>
    %dma_wait3A_55 = tpu.memref_squeeze %dma_wait3A_54 : memref<1x!tpu.dma_semaphore, #tpu.memory_space<semaphore_mem>> -> memref<!tpu.dma_semaphore, #tpu.memory_space<semaphore_mem>>
    %dma_wait3A_56 = arith.constant 0 : i32
    %dma_wait3A_57 = arith.constant 0 : i32
    %dma_wait3A_58 = tpu.memref_slice %arg6[%dma_wait3A_44, %dma_wait3A_56, %dma_wait3A_57] : memref<4x2x112xi32, #tpu.memory_space<vmem>> -> memref<1x2x112xi32, #tpu.memory_space<vmem>>
    %dma_wait3A_59 = tpu.memref_squeeze %dma_wait3A_58 : memref<1x2x112xi32, #tpu.memory_space<vmem>> -> memref<2x112xi32, #tpu.memory_space<vmem>>
    %dma_wait3A_60 = arith.constant 0 : i32
    %dma_wait3A_61 = arith.constant 0 : i32
    %dma_wait3A_62 = tpu.memref_slice %arg3[%add3A, %dma_wait3A, %dma_wait3A_60, %dma_wait3A_61] : memref<32x90x2x112xi32, #tpu.memory_space<hbm>> -> memref<1x1x2x112xi32, #tpu.memory_space<hbm>>
    %dma_wait3A_63 = tpu.memref_squeeze %dma_wait3A_62 : memref<1x1x2x112xi32, #tpu.memory_space<hbm>> -> memref<2x112xi32, #tpu.memory_space<hbm>>
    tpu.wait_dma2 semaphore(%dma_wait3A_55 : memref<!tpu.dma_semaphore, #tpu.memory_space<semaphore_mem>>) src(%dma_wait3A_63 : memref<2x112xi32, #tpu.memory_space<hbm>>) dst(%dma_wait3A_59 : memref<2x112xi32, #tpu.memory_space<vmem>>)
    %dma_start3A_64 = arith.constant 0 : i32
    %dma_start3A_65 = arith.constant 0 : i32
    %dma_start3A_66 = arith.constant 0 : i32
    %dma_start3A_67 = arith.constant 0 : i32
    %dma_start3A_68 = arith.constant 0 : i32
    %dma_start3A_69 = tpu.memref_slice %arg7[%dma_start3A_67, %dma_start3A_68] : memref<336x128xf32, #tpu.memory_space<vmem>> -> memref<112x128xf32, #tpu.memory_space<vmem>>
    %dma_start3A_70 = arith.constant 0 : i32
    %dma_start3A_71 = tpu.memref_slice %arg6[%dma_start3A_64, %dma_start3A_65, %dma_start3A_70] : memref<4x2x112xi32, #tpu.memory_space<vmem>> -> memref<1x1x112xi32, #tpu.memory_space<vmem>>
    %dma_start3A_72 = tpu.memref_squeeze %dma_start3A_71 : memref<1x1x112xi32, #tpu.memory_space<vmem>> -> memref<112xi32, #tpu.memory_space<vmem>>
    %dma_start3A_73 = arith.constant 0 : i32
    %dma_start3A_74 = arith.constant 0 : i32
    %dma_start3A_75 = tpu.memref_slice %arg2[%dma_start3A_73, %dma_start3A_74] : memref<10000x128xf32, #tpu.memory_space<hbm>> -> memref<10000x128xf32, #tpu.memory_space<hbm>>
    %dma_start3A_76 = tpu.memref_slice %arg9[%dma_start3A_66] : memref<2x!tpu.dma_semaphore, #tpu.memory_space<semaphore_mem>> -> memref<1x!tpu.dma_semaphore, #tpu.memory_space<semaphore_mem>>
    %dma_start3A_77 = tpu.memref_squeeze %dma_start3A_76 : memref<1x!tpu.dma_semaphore, #tpu.memory_space<semaphore_mem>> -> memref<!tpu.dma_semaphore, #tpu.memory_space<semaphore_mem>>
    tpu.enqueue_indirect_dma source(%dma_start3A_75 : memref<10000x128xf32, #tpu.memory_space<hbm>>) target(%dma_start3A_69 : memref<112x128xf32, #tpu.memory_space<vmem>>) offsets(%dma_start3A_72 : memref<112xi32, #tpu.memory_space<vmem>>) semaphore(%dma_start3A_77 : memref<!tpu.dma_semaphore, #tpu.memory_space<semaphore_mem>>)
    %dma_start3A_78 = arith.constant 2 : i32
    %dma_start3A_79 = arith.constant 2 : i32
    %dma_start3A_80 = arith.constant 0 : i32
    %dma_start3A_81 = arith.constant 0 : i32
    %dma_start3A_82 = arith.constant 0 : i32
    %dma_start3A_83 = tpu.memref_slice %arg6[%dma_start3A_79, %dma_start3A_81, %dma_start3A_82] : memref<4x2x112xi32, #tpu.memory_space<vmem>> -> memref<1x2x112xi32, #tpu.memory_space<vmem>>
    %dma_start3A_84 = tpu.memref_squeeze %dma_start3A_83 : memref<1x2x112xi32, #tpu.memory_space<vmem>> -> memref<2x112xi32, #tpu.memory_space<vmem>>
    %dma_start3A_85 = arith.constant 0 : i32
    %dma_start3A_86 = arith.constant 0 : i32
    %dma_start3A_87 = tpu.memref_slice %arg3[%add3A, %dma_start3A_78, %dma_start3A_85, %dma_start3A_86] : memref<32x90x2x112xi32, #tpu.memory_space<hbm>> -> memref<1x1x2x112xi32, #tpu.memory_space<hbm>>
    %dma_start3A_88 = tpu.memref_squeeze %dma_start3A_87 : memref<1x1x2x112xi32, #tpu.memory_space<hbm>> -> memref<2x112xi32, #tpu.memory_space<hbm>>
    %dma_start3A_89 = tpu.memref_slice %arg11[%dma_start3A_80] : memref<2x!tpu.dma_semaphore, #tpu.memory_space<semaphore_mem>> -> memref<1x!tpu.dma_semaphore, #tpu.memory_space<semaphore_mem>>
    %dma_start3A_90 = tpu.memref_squeeze %dma_start3A_89 : memref<1x!tpu.dma_semaphore, #tpu.memory_space<semaphore_mem>> -> memref<!tpu.dma_semaphore, #tpu.memory_space<semaphore_mem>>
    %dma_start3A_91 = arith.constant 0 : i32
    %dma_start3A_92 = arith.constant 0 : i32
    %dma_start3A_93 = tpu.memref_slice %arg6[%dma_start3A_79, %dma_start3A_91, %dma_start3A_92] : memref<4x2x112xi32, #tpu.memory_space<vmem>> -> memref<1x2x112xi32, #tpu.memory_space<vmem>>
    %dma_start3A_94 = tpu.memref_squeeze %dma_start3A_93 : memref<1x2x112xi32, #tpu.memory_space<vmem>> -> memref<2x112xi32, #tpu.memory_space<vmem>>
    %dma_start3A_95 = arith.constant 0 : i32
    %dma_start3A_96 = arith.constant 0 : i32
    %dma_start3A_97 = tpu.memref_slice %arg3[%add3A, %dma_start3A_78, %dma_start3A_95, %dma_start3A_96] : memref<32x90x2x112xi32, #tpu.memory_space<hbm>> -> memref<1x1x2x112xi32, #tpu.memory_space<hbm>>
    %dma_start3A_98 = tpu.memref_squeeze %dma_start3A_97 : memref<1x1x2x112xi32, #tpu.memory_space<hbm>> -> memref<2x112xi32, #tpu.memory_space<hbm>>
    tpu.enqueue_dma source(%dma_start3A_98 : memref<2x112xi32, #tpu.memory_space<hbm>>) target(%dma_start3A_94 : memref<2x112xi32, #tpu.memory_space<vmem>>) target_semaphore(%dma_start3A_90 : memref<!tpu.dma_semaphore, #tpu.memory_space<semaphore_mem>>)
    %dma_wait3A_99 = arith.constant 0 : i32
    %dma_wait3A_100 = arith.constant 0 : i32
    %dma_wait3A_101 = arith.constant 1 : i32
    %dma_wait3A_102 = arith.constant 0 : i32
    %dma_wait3A_103 = arith.constant 0 : i32
    %dma_wait3A_104 = tpu.memref_slice %arg6[%dma_wait3A_100, %dma_wait3A_102, %dma_wait3A_103] : memref<4x2x112xi32, #tpu.memory_space<vmem>> -> memref<1x2x112xi32, #tpu.memory_space<vmem>>
    %dma_wait3A_105 = tpu.memref_squeeze %dma_wait3A_104 : memref<1x2x112xi32, #tpu.memory_space<vmem>> -> memref<2x112xi32, #tpu.memory_space<vmem>>
    %dma_wait3A_106 = arith.constant 0 : i32
    %dma_wait3A_107 = arith.constant 0 : i32
    %dma_wait3A_108 = tpu.memref_slice %arg3[%add3A, %dma_wait3A_99, %dma_wait3A_106, %dma_wait3A_107] : memref<32x90x2x112xi32, #tpu.memory_space<hbm>> -> memref<1x1x2x112xi32, #tpu.memory_space<hbm>>
    %dma_wait3A_109 = tpu.memref_squeeze %dma_wait3A_108 : memref<1x1x2x112xi32, #tpu.memory_space<hbm>> -> memref<2x112xi32, #tpu.memory_space<hbm>>
    %dma_wait3A_110 = tpu.memref_slice %arg11[%dma_wait3A_101] : memref<2x!tpu.dma_semaphore, #tpu.memory_space<semaphore_mem>> -> memref<1x!tpu.dma_semaphore, #tpu.memory_space<semaphore_mem>>
    %dma_wait3A_111 = tpu.memref_squeeze %dma_wait3A_110 : memref<1x!tpu.dma_semaphore, #tpu.memory_space<semaphore_mem>> -> memref<!tpu.dma_semaphore, #tpu.memory_space<semaphore_mem>>
    %dma_wait3A_112 = arith.constant 0 : i32
    %dma_wait3A_113 = arith.constant 0 : i32
    %dma_wait3A_114 = tpu.memref_slice %arg6[%dma_wait3A_100, %dma_wait3A_112, %dma_wait3A_113] : memref<4x2x112xi32, #tpu.memory_space<vmem>> -> memref<1x2x112xi32, #tpu.memory_space<vmem>>
    %dma_wait3A_115 = tpu.memref_squeeze %dma_wait3A_114 : memref<1x2x112xi32, #tpu.memory_space<vmem>> -> memref<2x112xi32, #tpu.memory_space<vmem>>
    %dma_wait3A_116 = arith.constant 0 : i32
    %dma_wait3A_117 = arith.constant 0 : i32
    %dma_wait3A_118 = tpu.memref_slice %arg3[%add3A, %dma_wait3A_99, %dma_wait3A_116, %dma_wait3A_117] : memref<32x90x2x112xi32, #tpu.memory_space<hbm>> -> memref<1x1x2x112xi32, #tpu.memory_space<hbm>>
    %dma_wait3A_119 = tpu.memref_squeeze %dma_wait3A_118 : memref<1x1x2x112xi32, #tpu.memory_space<hbm>> -> memref<2x112xi32, #tpu.memory_space<hbm>>
    tpu.wait_dma2 semaphore(%dma_wait3A_111 : memref<!tpu.dma_semaphore, #tpu.memory_space<semaphore_mem>>) src(%dma_wait3A_119 : memref<2x112xi32, #tpu.memory_space<hbm>>) dst(%dma_wait3A_115 : memref<2x112xi32, #tpu.memory_space<vmem>>)
    %dma_start3A_120 = arith.constant 1 : i32
    %dma_start3A_121 = arith.constant 0 : i32
    %dma_start3A_122 = arith.constant 1 : i32
    %dma_start3A_123 = arith.constant 112 : i32
    %dma_start3A_124 = arith.constant 0 : i32
    %dma_start3A_125 = tpu.memref_slice %arg7[%dma_start3A_123, %dma_start3A_124] : memref<336x128xf32, #tpu.memory_space<vmem>> -> memref<112x128xf32, #tpu.memory_space<vmem>>
    %dma_start3A_126 = arith.constant 0 : i32
    %dma_start3A_127 = tpu.memref_slice %arg6[%dma_start3A_120, %dma_start3A_121, %dma_start3A_126] : memref<4x2x112xi32, #tpu.memory_space<vmem>> -> memref<1x1x112xi32, #tpu.memory_space<vmem>>
    %dma_start3A_128 = tpu.memref_squeeze %dma_start3A_127 : memref<1x1x112xi32, #tpu.memory_space<vmem>> -> memref<112xi32, #tpu.memory_space<vmem>>
    %dma_start3A_129 = arith.constant 0 : i32
    %dma_start3A_130 = arith.constant 0 : i32
    %dma_start3A_131 = tpu.memref_slice %arg2[%dma_start3A_129, %dma_start3A_130] : memref<10000x128xf32, #tpu.memory_space<hbm>> -> memref<10000x128xf32, #tpu.memory_space<hbm>>
    %dma_start3A_132 = tpu.memref_slice %arg9[%dma_start3A_122] : memref<2x!tpu.dma_semaphore, #tpu.memory_space<semaphore_mem>> -> memref<1x!tpu.dma_semaphore, #tpu.memory_space<semaphore_mem>>
    %dma_start3A_133 = tpu.memref_squeeze %dma_start3A_132 : memref<1x!tpu.dma_semaphore, #tpu.memory_space<semaphore_mem>> -> memref<!tpu.dma_semaphore, #tpu.memory_space<semaphore_mem>>
    tpu.enqueue_indirect_dma source(%dma_start3A_131 : memref<10000x128xf32, #tpu.memory_space<hbm>>) target(%dma_start3A_125 : memref<112x128xf32, #tpu.memory_space<vmem>>) offsets(%dma_start3A_128 : memref<112xi32, #tpu.memory_space<vmem>>) semaphore(%dma_start3A_133 : memref<!tpu.dma_semaphore, #tpu.memory_space<semaphore_mem>>)
    %dma_wait3A_134 = arith.constant 0 : i32
    %dma_wait3A_135 = arith.constant 0 : i32
    %dma_wait3A_136 = arith.constant 0 : i32
    %dma_wait3A_137 = tpu.memref_slice %arg7[%dma_wait3A_135, %dma_wait3A_136] : memref<336x128xf32, #tpu.memory_space<vmem>> -> memref<112x128xf32, #tpu.memory_space<vmem>>
    %dma_wait3A_138 = arith.constant 0 : i32
    %dma_wait3A_139 = arith.constant 0 : i32
    %dma_wait3A_140 = tpu.memref_slice %arg2[%dma_wait3A_138, %dma_wait3A_139] : memref<10000x128xf32, #tpu.memory_space<hbm>> -> memref<112x128xf32, #tpu.memory_space<hbm>>
    %dma_wait3A_141 = tpu.memref_slice %arg9[%dma_wait3A_134] : memref<2x!tpu.dma_semaphore, #tpu.memory_space<semaphore_mem>> -> memref<1x!tpu.dma_semaphore, #tpu.memory_space<semaphore_mem>>
    %dma_wait3A_142 = tpu.memref_squeeze %dma_wait3A_141 : memref<1x!tpu.dma_semaphore, #tpu.memory_space<semaphore_mem>> -> memref<!tpu.dma_semaphore, #tpu.memory_space<semaphore_mem>>
    %dma_wait3A_143 = arith.constant 0 : i32
    %dma_wait3A_144 = arith.constant 0 : i32
    %dma_wait3A_145 = tpu.memref_slice %arg7[%dma_wait3A_143, %dma_wait3A_144] : memref<336x128xf32, #tpu.memory_space<vmem>> -> memref<112x128xf32, #tpu.memory_space<vmem>>
    %dma_wait3A_146 = arith.constant 0 : i32
    %dma_wait3A_147 = arith.constant 0 : i32
    %dma_wait3A_148 = tpu.memref_slice %arg2[%dma_wait3A_146, %dma_wait3A_147] : memref<10000x128xf32, #tpu.memory_space<hbm>> -> memref<112x128xf32, #tpu.memory_space<hbm>>
    tpu.wait_dma2 semaphore(%dma_wait3A_142 : memref<!tpu.dma_semaphore, #tpu.memory_space<semaphore_mem>>) src(%dma_wait3A_148 : memref<112x128xf32, #tpu.memory_space<hbm>>) dst(%dma_wait3A_145 : memref<112x128xf32, #tpu.memory_space<vmem>>)
    %dma_start3A_149 = arith.constant 0 : i32
    %dma_start3A_150 = arith.constant 1 : i32
    %dma_start3A_151 = arith.constant 0 : i32
    %dma_start3A_152 = arith.constant 0 : i32
    %dma_start3A_153 = arith.constant 0 : i32
    %dma_start3A_154 = tpu.memref_slice %arg7[%dma_start3A_152, %dma_start3A_153] : memref<336x128xf32, #tpu.memory_space<vmem>> -> memref<112x128xf32, #tpu.memory_space<vmem>>
    %dma_start3A_155 = arith.constant 0 : i32
    %dma_start3A_156 = tpu.memref_slice %arg6[%dma_start3A_149, %dma_start3A_150, %dma_start3A_155] : memref<4x2x112xi32, #tpu.memory_space<vmem>> -> memref<1x1x112xi32, #tpu.memory_space<vmem>>
    %dma_start3A_157 = tpu.memref_squeeze %dma_start3A_156 : memref<1x1x112xi32, #tpu.memory_space<vmem>> -> memref<112xi32, #tpu.memory_space<vmem>>
    %dma_start3A_158 = arith.constant 0 : i32
    %dma_start3A_159 = arith.constant 0 : i32
    %dma_start3A_160 = tpu.memref_slice %arg8[%dma_start3A_158, %dma_start3A_159] : memref<10112x128xf32, #tpu.memory_space<vmem_shared>> -> memref<10112x128xf32, #tpu.memory_space<vmem_shared>>
    %dma_start3A_161 = tpu.memref_slice %arg10[%dma_start3A_151] : memref<3x!tpu.dma_semaphore, #tpu.memory_space<semaphore_mem>> -> memref<1x!tpu.dma_semaphore, #tpu.memory_space<semaphore_mem>>
    %dma_start3A_162 = tpu.memref_squeeze %dma_start3A_161 : memref<1x!tpu.dma_semaphore, #tpu.memory_space<semaphore_mem>> -> memref<!tpu.dma_semaphore, #tpu.memory_space<semaphore_mem>>
    tpu.enqueue_indirect_dma source(%dma_start3A_154 : memref<112x128xf32, #tpu.memory_space<vmem>>) target(%dma_start3A_160 : memref<10112x128xf32, #tpu.memory_space<vmem_shared>>) offsets(%dma_start3A_157 : memref<112xi32, #tpu.memory_space<vmem>>) semaphore(%dma_start3A_162 : memref<!tpu.dma_semaphore, #tpu.memory_space<semaphore_mem>>) {add = true}
    %dma_start3A_163 = arith.constant 3 : i32
    %dma_start3A_164 = arith.constant 3 : i32
    %dma_start3A_165 = arith.constant 1 : i32
    %dma_start3A_166 = arith.constant 0 : i32
    %dma_start3A_167 = arith.constant 0 : i32
    %dma_start3A_168 = tpu.memref_slice %arg6[%dma_start3A_164, %dma_start3A_166, %dma_start3A_167] : memref<4x2x112xi32, #tpu.memory_space<vmem>> -> memref<1x2x112xi32, #tpu.memory_space<vmem>>
    %dma_start3A_169 = tpu.memref_squeeze %dma_start3A_168 : memref<1x2x112xi32, #tpu.memory_space<vmem>> -> memref<2x112xi32, #tpu.memory_space<vmem>>
    %dma_start3A_170 = arith.constant 0 : i32
    %dma_start3A_171 = arith.constant 0 : i32
    %dma_start3A_172 = tpu.memref_slice %arg3[%add3A, %dma_start3A_163, %dma_start3A_170, %dma_start3A_171] : memref<32x90x2x112xi32, #tpu.memory_space<hbm>> -> memref<1x1x2x112xi32, #tpu.memory_space<hbm>>
    %dma_start3A_173 = tpu.memref_squeeze %dma_start3A_172 : memref<1x1x2x112xi32, #tpu.memory_space<hbm>> -> memref<2x112xi32, #tpu.memory_space<hbm>>
    %dma_start3A_174 = tpu.memref_slice %arg11[%dma_start3A_165] : memref<2x!tpu.dma_semaphore, #tpu.memory_space<semaphore_mem>> -> memref<1x!tpu.dma_semaphore, #tpu.memory_space<semaphore_mem>>
    %dma_start3A_175 = tpu.memref_squeeze %dma_start3A_174 : memref<1x!tpu.dma_semaphore, #tpu.memory_space<semaphore_mem>> -> memref<!tpu.dma_semaphore, #tpu.memory_space<semaphore_mem>>
    %dma_start3A_176 = arith.constant 0 : i32
    %dma_start3A_177 = arith.constant 0 : i32
    %dma_start3A_178 = tpu.memref_slice %arg6[%dma_start3A_164, %dma_start3A_176, %dma_start3A_177] : memref<4x2x112xi32, #tpu.memory_space<vmem>> -> memref<1x2x112xi32, #tpu.memory_space<vmem>>
    %dma_start3A_179 = tpu.memref_squeeze %dma_start3A_178 : memref<1x2x112xi32, #tpu.memory_space<vmem>> -> memref<2x112xi32, #tpu.memory_space<vmem>>
    %dma_start3A_180 = arith.constant 0 : i32
    %dma_start3A_181 = arith.constant 0 : i32
    %dma_start3A_182 = tpu.memref_slice %arg3[%add3A, %dma_start3A_163, %dma_start3A_180, %dma_start3A_181] : memref<32x90x2x112xi32, #tpu.memory_space<hbm>> -> memref<1x1x2x112xi32, #tpu.memory_space<hbm>>
    %dma_start3A_183 = tpu.memref_squeeze %dma_start3A_182 : memref<1x1x2x112xi32, #tpu.memory_space<hbm>> -> memref<2x112xi32, #tpu.memory_space<hbm>>
    tpu.enqueue_dma source(%dma_start3A_183 : memref<2x112xi32, #tpu.memory_space<hbm>>) target(%dma_start3A_179 : memref<2x112xi32, #tpu.memory_space<vmem>>) target_semaphore(%dma_start3A_175 : memref<!tpu.dma_semaphore, #tpu.memory_space<semaphore_mem>>)
    %dma_wait3A_184 = arith.constant 0 : i32
    %dma_wait3A_185 = arith.constant 0 : i32
    %dma_wait3A_186 = arith.constant 0 : i32
    %dma_wait3A_187 = arith.constant 0 : i32
    %dma_wait3A_188 = arith.constant 0 : i32
    %dma_wait3A_189 = tpu.memref_slice %arg6[%dma_wait3A_185, %dma_wait3A_187, %dma_wait3A_188] : memref<4x2x112xi32, #tpu.memory_space<vmem>> -> memref<1x2x112xi32, #tpu.memory_space<vmem>>
    %dma_wait3A_190 = tpu.memref_squeeze %dma_wait3A_189 : memref<1x2x112xi32, #tpu.memory_space<vmem>> -> memref<2x112xi32, #tpu.memory_space<vmem>>
    %dma_wait3A_191 = arith.constant 0 : i32
    %dma_wait3A_192 = arith.constant 0 : i32
    %dma_wait3A_193 = tpu.memref_slice %arg3[%add3A, %dma_wait3A_184, %dma_wait3A_191, %dma_wait3A_192] : memref<32x90x2x112xi32, #tpu.memory_space<hbm>> -> memref<1x1x2x112xi32, #tpu.memory_space<hbm>>
    %dma_wait3A_194 = tpu.memref_squeeze %dma_wait3A_193 : memref<1x1x2x112xi32, #tpu.memory_space<hbm>> -> memref<2x112xi32, #tpu.memory_space<hbm>>
    %dma_wait3A_195 = tpu.memref_slice %arg11[%dma_wait3A_186] : memref<2x!tpu.dma_semaphore, #tpu.memory_space<semaphore_mem>> -> memref<1x!tpu.dma_semaphore, #tpu.memory_space<semaphore_mem>>
    %dma_wait3A_196 = tpu.memref_squeeze %dma_wait3A_195 : memref<1x!tpu.dma_semaphore, #tpu.memory_space<semaphore_mem>> -> memref<!tpu.dma_semaphore, #tpu.memory_space<semaphore_mem>>
    %dma_wait3A_197 = arith.constant 0 : i32
    %dma_wait3A_198 = arith.constant 0 : i32
    %dma_wait3A_199 = tpu.memref_slice %arg6[%dma_wait3A_185, %dma_wait3A_197, %dma_wait3A_198] : memref<4x2x112xi32, #tpu.memory_space<vmem>> -> memref<1x2x112xi32, #tpu.memory_space<vmem>>
    %dma_wait3A_200 = tpu.memref_squeeze %dma_wait3A_199 : memref<1x2x112xi32, #tpu.memory_space<vmem>> -> memref<2x112xi32, #tpu.memory_space<vmem>>
    %dma_wait3A_201 = arith.constant 0 : i32
    %dma_wait3A_202 = arith.constant 0 : i32
    %dma_wait3A_203 = tpu.memref_slice %arg3[%add3A, %dma_wait3A_184, %dma_wait3A_201, %dma_wait3A_202] : memref<32x90x2x112xi32, #tpu.memory_space<hbm>> -> memref<1x1x2x112xi32, #tpu.memory_space<hbm>>
    %dma_wait3A_204 = tpu.memref_squeeze %dma_wait3A_203 : memref<1x1x2x112xi32, #tpu.memory_space<hbm>> -> memref<2x112xi32, #tpu.memory_space<hbm>>
    tpu.wait_dma2 semaphore(%dma_wait3A_196 : memref<!tpu.dma_semaphore, #tpu.memory_space<semaphore_mem>>) src(%dma_wait3A_204 : memref<2x112xi32, #tpu.memory_space<hbm>>) dst(%dma_wait3A_200 : memref<2x112xi32, #tpu.memory_space<vmem>>)
    %dma_start3A_205 = arith.constant 2 : i32
    %dma_start3A_206 = arith.constant 0 : i32
    %dma_start3A_207 = arith.constant 0 : i32
    %dma_start3A_208 = arith.constant 224 : i32
    %dma_start3A_209 = arith.constant 0 : i32
    %dma_start3A_210 = tpu.memref_slice %arg7[%dma_start3A_208, %dma_start3A_209] : memref<336x128xf32, #tpu.memory_space<vmem>> -> memref<112x128xf32, #tpu.memory_space<vmem>>
    %dma_start3A_211 = arith.constant 0 : i32
    %dma_start3A_212 = tpu.memref_slice %arg6[%dma_start3A_205, %dma_start3A_206, %dma_start3A_211] : memref<4x2x112xi32, #tpu.memory_space<vmem>> -> memref<1x1x112xi32, #tpu.memory_space<vmem>>
    %dma_start3A_213 = tpu.memref_squeeze %dma_start3A_212 : memref<1x1x112xi32, #tpu.memory_space<vmem>> -> memref<112xi32, #tpu.memory_space<vmem>>
    %dma_start3A_214 = arith.constant 0 : i32
    %dma_start3A_215 = arith.constant 0 : i32
    %dma_start3A_216 = tpu.memref_slice %arg2[%dma_start3A_214, %dma_start3A_215] : memref<10000x128xf32, #tpu.memory_space<hbm>> -> memref<10000x128xf32, #tpu.memory_space<hbm>>
    %dma_start3A_217 = tpu.memref_slice %arg9[%dma_start3A_207] : memref<2x!tpu.dma_semaphore, #tpu.memory_space<semaphore_mem>> -> memref<1x!tpu.dma_semaphore, #tpu.memory_space<semaphore_mem>>
    %dma_start3A_218 = tpu.memref_squeeze %dma_start3A_217 : memref<1x!tpu.dma_semaphore, #tpu.memory_space<semaphore_mem>> -> memref<!tpu.dma_semaphore, #tpu.memory_space<semaphore_mem>>
    tpu.enqueue_indirect_dma source(%dma_start3A_216 : memref<10000x128xf32, #tpu.memory_space<hbm>>) target(%dma_start3A_210 : memref<112x128xf32, #tpu.memory_space<vmem>>) offsets(%dma_start3A_213 : memref<112xi32, #tpu.memory_space<vmem>>) semaphore(%dma_start3A_218 : memref<!tpu.dma_semaphore, #tpu.memory_space<semaphore_mem>>)
    %dma_wait3A_219 = arith.constant 1 : i32
    %dma_wait3A_220 = arith.constant 0 : i32
    %dma_wait3A_221 = arith.constant 0 : i32
    %dma_wait3A_222 = tpu.memref_slice %arg7[%dma_wait3A_220, %dma_wait3A_221] : memref<336x128xf32, #tpu.memory_space<vmem>> -> memref<112x128xf32, #tpu.memory_space<vmem>>
    %dma_wait3A_223 = arith.constant 0 : i32
    %dma_wait3A_224 = arith.constant 0 : i32
    %dma_wait3A_225 = tpu.memref_slice %arg2[%dma_wait3A_223, %dma_wait3A_224] : memref<10000x128xf32, #tpu.memory_space<hbm>> -> memref<112x128xf32, #tpu.memory_space<hbm>>
    %dma_wait3A_226 = tpu.memref_slice %arg9[%dma_wait3A_219] : memref<2x!tpu.dma_semaphore, #tpu.memory_space<semaphore_mem>> -> memref<1x!tpu.dma_semaphore, #tpu.memory_space<semaphore_mem>>
    %dma_wait3A_227 = tpu.memref_squeeze %dma_wait3A_226 : memref<1x!tpu.dma_semaphore, #tpu.memory_space<semaphore_mem>> -> memref<!tpu.dma_semaphore, #tpu.memory_space<semaphore_mem>>
    %dma_wait3A_228 = arith.constant 0 : i32
    %dma_wait3A_229 = arith.constant 0 : i32
    %dma_wait3A_230 = tpu.memref_slice %arg7[%dma_wait3A_228, %dma_wait3A_229] : memref<336x128xf32, #tpu.memory_space<vmem>> -> memref<112x128xf32, #tpu.memory_space<vmem>>
    %dma_wait3A_231 = arith.constant 0 : i32
    %dma_wait3A_232 = arith.constant 0 : i32
    %dma_wait3A_233 = tpu.memref_slice %arg2[%dma_wait3A_231, %dma_wait3A_232] : memref<10000x128xf32, #tpu.memory_space<hbm>> -> memref<112x128xf32, #tpu.memory_space<hbm>>
    tpu.wait_dma2 semaphore(%dma_wait3A_227 : memref<!tpu.dma_semaphore, #tpu.memory_space<semaphore_mem>>) src(%dma_wait3A_233 : memref<112x128xf32, #tpu.memory_space<hbm>>) dst(%dma_wait3A_230 : memref<112x128xf32, #tpu.memory_space<vmem>>)
    %dma_start3A_234 = arith.constant 1 : i32
    %dma_start3A_235 = arith.constant 1 : i32
    %dma_start3A_236 = arith.constant 1 : i32
    %dma_start3A_237 = arith.constant 112 : i32
    %dma_start3A_238 = arith.constant 0 : i32
    %dma_start3A_239 = tpu.memref_slice %arg7[%dma_start3A_237, %dma_start3A_238] : memref<336x128xf32, #tpu.memory_space<vmem>> -> memref<112x128xf32, #tpu.memory_space<vmem>>
    %dma_start3A_240 = arith.constant 0 : i32
    %dma_start3A_241 = tpu.memref_slice %arg6[%dma_start3A_234, %dma_start3A_235, %dma_start3A_240] : memref<4x2x112xi32, #tpu.memory_space<vmem>> -> memref<1x1x112xi32, #tpu.memory_space<vmem>>
    %dma_start3A_242 = tpu.memref_squeeze %dma_start3A_241 : memref<1x1x112xi32, #tpu.memory_space<vmem>> -> memref<112xi32, #tpu.memory_space<vmem>>
    %dma_start3A_243 = arith.constant 0 : i32
    %dma_start3A_244 = arith.constant 0 : i32
    %dma_start3A_245 = tpu.memref_slice %arg8[%dma_start3A_243, %dma_start3A_244] : memref<10112x128xf32, #tpu.memory_space<vmem_shared>> -> memref<10112x128xf32, #tpu.memory_space<vmem_shared>>
    %dma_start3A_246 = tpu.memref_slice %arg10[%dma_start3A_236] : memref<3x!tpu.dma_semaphore, #tpu.memory_space<semaphore_mem>> -> memref<1x!tpu.dma_semaphore, #tpu.memory_space<semaphore_mem>>
    %dma_start3A_247 = tpu.memref_squeeze %dma_start3A_246 : memref<1x!tpu.dma_semaphore, #tpu.memory_space<semaphore_mem>> -> memref<!tpu.dma_semaphore, #tpu.memory_space<semaphore_mem>>
    tpu.enqueue_indirect_dma source(%dma_start3A_239 : memref<112x128xf32, #tpu.memory_space<vmem>>) target(%dma_start3A_245 : memref<10112x128xf32, #tpu.memory_space<vmem_shared>>) offsets(%dma_start3A_242 : memref<112xi32, #tpu.memory_space<vmem>>) semaphore(%dma_start3A_247 : memref<!tpu.dma_semaphore, #tpu.memory_space<semaphore_mem>>) {add = true}
    %scan3A = arith.constant 4 : i32
    %scan3A_248 = arith.constant 86 : i32
    %scan3A_249 = arith.addi %scan3A, %scan3A_248 : i32
    %scan3A_250 = arith.constant 1 : i32
    scf.for %scan3A_406 = %scan3A to %scan3A_249 step %scan3A_250  : i32 {
      %sub3A = arith.constant 4 : i32
      %sub3A_407 = arith.subi %scan3A_406, %sub3A : i32
      %jit3A = arith.constant 3 : i32
      %eq3A = arith.constant 0 : i32
      %eq3A_408 = arith.cmpi eq, %jit3A, %eq3A : i32
      %jit3A_409 = arith.constant 1 : i32
      %select_n3A = arith.select %eq3A_408, %jit3A_409, %jit3A : i32
      %rem3A = arith.remsi %sub3A_407, %select_n3A : i32
      %ne3A = arith.constant 0 : i32
      %ne3A_410 = arith.cmpi ne, %rem3A, %ne3A : i32
      %lt3A = arith.constant 0 : i32
      %lt3A_411 = arith.cmpi slt, %rem3A, %lt3A : i32
      %lt3A_412 = arith.constant 0 : i32
      %lt3A_413 = arith.cmpi slt, %select_n3A, %lt3A_412 : i32
      %ne3A_414 = arith.xori %lt3A_411, %lt3A_413 : i1
      %and3A = arith.andi %ne3A_414, %ne3A_410 : i1
      %add3A_415 = arith.addi %rem3A, %select_n3A : i32
      %select_n3A_416 = arith.select %and3A, %add3A_415, %rem3A : i32
      %dma_wait3A_417 = arith.constant 0 : i32
      %dma_wait3A_418 = arith.constant 0 : i32
      %dma_wait3A_419 = tpu.memref_slice %arg7[%dma_wait3A_417, %dma_wait3A_418] : memref<336x128xf32, #tpu.memory_space<vmem>> -> memref<112x128xf32, #tpu.memory_space<vmem>>
      %dma_wait3A_420 = arith.constant 0 : i32
      %dma_wait3A_421 = arith.constant 0 : i32
      %dma_wait3A_422 = tpu.memref_slice %arg2[%dma_wait3A_420, %dma_wait3A_421] : memref<10000x128xf32, #tpu.memory_space<hbm>> -> memref<112x128xf32, #tpu.memory_space<hbm>>
      %dma_wait3A_423 = tpu.memref_slice %arg10[%select_n3A_416] : memref<3x!tpu.dma_semaphore, #tpu.memory_space<semaphore_mem>> -> memref<1x!tpu.dma_semaphore, #tpu.memory_space<semaphore_mem>>
      %dma_wait3A_424 = tpu.memref_squeeze %dma_wait3A_423 : memref<1x!tpu.dma_semaphore, #tpu.memory_space<semaphore_mem>> -> memref<!tpu.dma_semaphore, #tpu.memory_space<semaphore_mem>>
      %dma_wait3A_425 = arith.constant 0 : i32
      %dma_wait3A_426 = arith.constant 0 : i32
      %dma_wait3A_427 = tpu.memref_slice %arg7[%dma_wait3A_425, %dma_wait3A_426] : memref<336x128xf32, #tpu.memory_space<vmem>> -> memref<112x128xf32, #tpu.memory_space<vmem>>
      %dma_wait3A_428 = arith.constant 0 : i32
      %dma_wait3A_429 = arith.constant 0 : i32
      %dma_wait3A_430 = tpu.memref_slice %arg2[%dma_wait3A_428, %dma_wait3A_429] : memref<10000x128xf32, #tpu.memory_space<hbm>> -> memref<112x128xf32, #tpu.memory_space<hbm>>
      tpu.wait_dma2 semaphore(%dma_wait3A_424 : memref<!tpu.dma_semaphore, #tpu.memory_space<semaphore_mem>>) src(%dma_wait3A_430 : memref<112x128xf32, #tpu.memory_space<hbm>>) dst(%dma_wait3A_427 : memref<112x128xf32, #tpu.memory_space<vmem>>)
      %jit3A_431 = arith.constant 4 : i32
      %eq3A_432 = arith.constant 0 : i32
      %eq3A_433 = arith.cmpi eq, %jit3A_431, %eq3A_432 : i32
      %jit3A_434 = arith.constant 1 : i32
      %select_n3A_435 = arith.select %eq3A_433, %jit3A_434, %jit3A_431 : i32
      %rem3A_436 = arith.remsi %scan3A_406, %select_n3A_435 : i32
      %ne3A_437 = arith.constant 0 : i32
      %ne3A_438 = arith.cmpi ne, %rem3A_436, %ne3A_437 : i32
      %lt3A_439 = arith.constant 0 : i32
      %lt3A_440 = arith.cmpi slt, %rem3A_436, %lt3A_439 : i32
      %lt3A_441 = arith.constant 0 : i32
      %lt3A_442 = arith.cmpi slt, %select_n3A_435, %lt3A_441 : i32
      %ne3A_443 = arith.xori %lt3A_440, %lt3A_442 : i1
      %and3A_444 = arith.andi %ne3A_443, %ne3A_438 : i1
      %add3A_445 = arith.addi %rem3A_436, %select_n3A_435 : i32
      %select_n3A_446 = arith.select %and3A_444, %add3A_445, %rem3A_436 : i32
      %jit3A_447 = arith.constant 2 : i32
      %eq3A_448 = arith.constant 0 : i32
      %eq3A_449 = arith.cmpi eq, %jit3A_447, %eq3A_448 : i32
      %jit3A_450 = arith.constant 1 : i32
      %select_n3A_451 = arith.select %eq3A_449, %jit3A_450, %jit3A_447 : i32
      %rem3A_452 = arith.remsi %scan3A_406, %select_n3A_451 : i32
      %ne3A_453 = arith.constant 0 : i32
      %ne3A_454 = arith.cmpi ne, %rem3A_452, %ne3A_453 : i32
      %lt3A_455 = arith.constant 0 : i32
      %lt3A_456 = arith.cmpi slt, %rem3A_452, %lt3A_455 : i32
      %lt3A_457 = arith.constant 0 : i32
      %lt3A_458 = arith.cmpi slt, %select_n3A_451, %lt3A_457 : i32
      %ne3A_459 = arith.xori %lt3A_456, %lt3A_458 : i1
      %and3A_460 = arith.andi %ne3A_459, %ne3A_454 : i1
      %add3A_461 = arith.addi %rem3A_452, %select_n3A_451 : i32
      %select_n3A_462 = arith.select %and3A_460, %add3A_461, %rem3A_452 : i32
      %dma_start3A_463 = arith.constant 0 : i32
      %dma_start3A_464 = arith.constant 0 : i32
      %dma_start3A_465 = tpu.memref_slice %arg6[%select_n3A_446, %dma_start3A_463, %dma_start3A_464] : memref<4x2x112xi32, #tpu.memory_space<vmem>> -> memref<1x2x112xi32, #tpu.memory_space<vmem>>
      %dma_start3A_466 = tpu.memref_squeeze %dma_start3A_465 : memref<1x2x112xi32, #tpu.memory_space<vmem>> -> memref<2x112xi32, #tpu.memory_space<vmem>>
      %dma_start3A_467 = arith.constant 0 : i32
      %dma_start3A_468 = arith.constant 0 : i32
      %dma_start3A_469 = tpu.memref_slice %arg3[%add3A, %scan3A_406, %dma_start3A_467, %dma_start3A_468] : memref<32x90x2x112xi32, #tpu.memory_space<hbm>> -> memref<1x1x2x112xi32, #tpu.memory_space<hbm>>
      %dma_start3A_470 = tpu.memref_squeeze %dma_start3A_469 : memref<1x1x2x112xi32, #tpu.memory_space<hbm>> -> memref<2x112xi32, #tpu.memory_space<hbm>>
      %dma_start3A_471 = tpu.memref_slice %arg11[%select_n3A_462] : memref<2x!tpu.dma_semaphore, #tpu.memory_space<semaphore_mem>> -> memref<1x!tpu.dma_semaphore, #tpu.memory_space<semaphore_mem>>
      %dma_start3A_472 = tpu.memref_squeeze %dma_start3A_471 : memref<1x!tpu.dma_semaphore, #tpu.memory_space<semaphore_mem>> -> memref<!tpu.dma_semaphore, #tpu.memory_space<semaphore_mem>>
      %dma_start3A_473 = arith.constant 0 : i32
      %dma_start3A_474 = arith.constant 0 : i32
      %dma_start3A_475 = tpu.memref_slice %arg6[%select_n3A_446, %dma_start3A_473, %dma_start3A_474] : memref<4x2x112xi32, #tpu.memory_space<vmem>> -> memref<1x2x112xi32, #tpu.memory_space<vmem>>
      %dma_start3A_476 = tpu.memref_squeeze %dma_start3A_475 : memref<1x2x112xi32, #tpu.memory_space<vmem>> -> memref<2x112xi32, #tpu.memory_space<vmem>>
      %dma_start3A_477 = arith.constant 0 : i32
      %dma_start3A_478 = arith.constant 0 : i32
      %dma_start3A_479 = tpu.memref_slice %arg3[%add3A, %scan3A_406, %dma_start3A_477, %dma_start3A_478] : memref<32x90x2x112xi32, #tpu.memory_space<hbm>> -> memref<1x1x2x112xi32, #tpu.memory_space<hbm>>
      %dma_start3A_480 = tpu.memref_squeeze %dma_start3A_479 : memref<1x1x2x112xi32, #tpu.memory_space<hbm>> -> memref<2x112xi32, #tpu.memory_space<hbm>>
      tpu.enqueue_dma source(%dma_start3A_480 : memref<2x112xi32, #tpu.memory_space<hbm>>) target(%dma_start3A_476 : memref<2x112xi32, #tpu.memory_space<vmem>>) target_semaphore(%dma_start3A_472 : memref<!tpu.dma_semaphore, #tpu.memory_space<semaphore_mem>>)
      %sub3A_481 = arith.constant 1 : i32
      %sub3A_482 = arith.subi %scan3A_406, %sub3A_481 : i32
      %jit3A_483 = arith.constant 2 : i32
      %eq3A_484 = arith.constant 0 : i32
      %eq3A_485 = arith.cmpi eq, %jit3A_483, %eq3A_484 : i32
      %jit3A_486 = arith.constant 1 : i32
      %select_n3A_487 = arith.select %eq3A_485, %jit3A_486, %jit3A_483 : i32
      %rem3A_488 = arith.remsi %sub3A_482, %select_n3A_487 : i32
      %ne3A_489 = arith.constant 0 : i32
      %ne3A_490 = arith.cmpi ne, %rem3A_488, %ne3A_489 : i32
      %lt3A_491 = arith.constant 0 : i32
      %lt3A_492 = arith.cmpi slt, %rem3A_488, %lt3A_491 : i32
      %lt3A_493 = arith.constant 0 : i32
      %lt3A_494 = arith.cmpi slt, %select_n3A_487, %lt3A_493 : i32
      %ne3A_495 = arith.xori %lt3A_492, %lt3A_494 : i1
      %and3A_496 = arith.andi %ne3A_495, %ne3A_490 : i1
      %add3A_497 = arith.addi %rem3A_488, %select_n3A_487 : i32
      %select_n3A_498 = arith.select %and3A_496, %add3A_497, %rem3A_488 : i32
      %dma_wait3A_499 = arith.constant 0 : i32
      %dma_wait3A_500 = arith.constant 0 : i32
      %dma_wait3A_501 = arith.constant 0 : i32
      %dma_wait3A_502 = arith.constant 0 : i32
      %dma_wait3A_503 = tpu.memref_slice %arg6[%dma_wait3A_500, %dma_wait3A_501, %dma_wait3A_502] : memref<4x2x112xi32, #tpu.memory_space<vmem>> -> memref<1x2x112xi32, #tpu.memory_space<vmem>>
      %dma_wait3A_504 = tpu.memref_squeeze %dma_wait3A_503 : memref<1x2x112xi32, #tpu.memory_space<vmem>> -> memref<2x112xi32, #tpu.memory_space<vmem>>
      %dma_wait3A_505 = arith.constant 0 : i32
      %dma_wait3A_506 = arith.constant 0 : i32
      %dma_wait3A_507 = tpu.memref_slice %arg3[%add3A, %dma_wait3A_499, %dma_wait3A_505, %dma_wait3A_506] : memref<32x90x2x112xi32, #tpu.memory_space<hbm>> -> memref<1x1x2x112xi32, #tpu.memory_space<hbm>>
      %dma_wait3A_508 = tpu.memref_squeeze %dma_wait3A_507 : memref<1x1x2x112xi32, #tpu.memory_space<hbm>> -> memref<2x112xi32, #tpu.memory_space<hbm>>
      %dma_wait3A_509 = tpu.memref_slice %arg11[%select_n3A_498] : memref<2x!tpu.dma_semaphore, #tpu.memory_space<semaphore_mem>> -> memref<1x!tpu.dma_semaphore, #tpu.memory_space<semaphore_mem>>
      %dma_wait3A_510 = tpu.memref_squeeze %dma_wait3A_509 : memref<1x!tpu.dma_semaphore, #tpu.memory_space<semaphore_mem>> -> memref<!tpu.dma_semaphore, #tpu.memory_space<semaphore_mem>>
      %dma_wait3A_511 = arith.constant 0 : i32
      %dma_wait3A_512 = arith.constant 0 : i32
      %dma_wait3A_513 = tpu.memref_slice %arg6[%dma_wait3A_500, %dma_wait3A_511, %dma_wait3A_512] : memref<4x2x112xi32, #tpu.memory_space<vmem>> -> memref<1x2x112xi32, #tpu.memory_space<vmem>>
      %dma_wait3A_514 = tpu.memref_squeeze %dma_wait3A_513 : memref<1x2x112xi32, #tpu.memory_space<vmem>> -> memref<2x112xi32, #tpu.memory_space<vmem>>
      %dma_wait3A_515 = arith.constant 0 : i32
      %dma_wait3A_516 = arith.constant 0 : i32
      %dma_wait3A_517 = tpu.memref_slice %arg3[%add3A, %dma_wait3A_499, %dma_wait3A_515, %dma_wait3A_516] : memref<32x90x2x112xi32, #tpu.memory_space<hbm>> -> memref<1x1x2x112xi32, #tpu.memory_space<hbm>>
      %dma_wait3A_518 = tpu.memref_squeeze %dma_wait3A_517 : memref<1x1x2x112xi32, #tpu.memory_space<hbm>> -> memref<2x112xi32, #tpu.memory_space<hbm>>
      tpu.wait_dma2 semaphore(%dma_wait3A_510 : memref<!tpu.dma_semaphore, #tpu.memory_space<semaphore_mem>>) src(%dma_wait3A_518 : memref<2x112xi32, #tpu.memory_space<hbm>>) dst(%dma_wait3A_514 : memref<2x112xi32, #tpu.memory_space<vmem>>)
      %sub3A_519 = arith.constant 1 : i32
      %sub3A_520 = arith.subi %scan3A_406, %sub3A_519 : i32
      %jit3A_521 = arith.constant 4 : i32
      %eq3A_522 = arith.constant 0 : i32
      %eq3A_523 = arith.cmpi eq, %jit3A_521, %eq3A_522 : i32
      %jit3A_524 = arith.constant 1 : i32
      %select_n3A_525 = arith.select %eq3A_523, %jit3A_524, %jit3A_521 : i32
      %rem3A_526 = arith.remsi %sub3A_520, %select_n3A_525 : i32
      %ne3A_527 = arith.constant 0 : i32
      %ne3A_528 = arith.cmpi ne, %rem3A_526, %ne3A_527 : i32
      %lt3A_529 = arith.constant 0 : i32
      %lt3A_530 = arith.cmpi slt, %rem3A_526, %lt3A_529 : i32
      %lt3A_531 = arith.constant 0 : i32
      %lt3A_532 = arith.cmpi slt, %select_n3A_525, %lt3A_531 : i32
      %ne3A_533 = arith.xori %lt3A_530, %lt3A_532 : i1
      %and3A_534 = arith.andi %ne3A_533, %ne3A_528 : i1
      %add3A_535 = arith.addi %rem3A_526, %select_n3A_525 : i32
      %select_n3A_536 = arith.select %and3A_534, %add3A_535, %rem3A_526 : i32
      %sub3A_537 = arith.constant 1 : i32
      %sub3A_538 = arith.subi %scan3A_406, %sub3A_537 : i32
      %jit3A_539 = arith.constant 3 : i32
      %eq3A_540 = arith.constant 0 : i32
      %eq3A_541 = arith.cmpi eq, %jit3A_539, %eq3A_540 : i32
      %jit3A_542 = arith.constant 1 : i32
      %select_n3A_543 = arith.select %eq3A_541, %jit3A_542, %jit3A_539 : i32
      %rem3A_544 = arith.remsi %sub3A_538, %select_n3A_543 : i32
      %ne3A_545 = arith.constant 0 : i32
      %ne3A_546 = arith.cmpi ne, %rem3A_544, %ne3A_545 : i32
      %lt3A_547 = arith.constant 0 : i32
      %lt3A_548 = arith.cmpi slt, %rem3A_544, %lt3A_547 : i32
      %lt3A_549 = arith.constant 0 : i32
      %lt3A_550 = arith.cmpi slt, %select_n3A_543, %lt3A_549 : i32
      %ne3A_551 = arith.xori %lt3A_548, %lt3A_550 : i1
      %and3A_552 = arith.andi %ne3A_551, %ne3A_546 : i1
      %add3A_553 = arith.addi %rem3A_544, %select_n3A_543 : i32
      %select_n3A_554 = arith.select %and3A_552, %add3A_553, %rem3A_544 : i32
      %mul3A_555 = arith.constant 112 : i32
      %mul3A_556 = arith.muli %select_n3A_554, %mul3A_555 : i32
      %sub3A_557 = arith.constant 1 : i32
      %sub3A_558 = arith.subi %scan3A_406, %sub3A_557 : i32
      %jit3A_559 = arith.constant 2 : i32
      %eq3A_560 = arith.constant 0 : i32
      %eq3A_561 = arith.cmpi eq, %jit3A_559, %eq3A_560 : i32
      %jit3A_562 = arith.constant 1 : i32
      %select_n3A_563 = arith.select %eq3A_561, %jit3A_562, %jit3A_559 : i32
      %rem3A_564 = arith.remsi %sub3A_558, %select_n3A_563 : i32
      %ne3A_565 = arith.constant 0 : i32
      %ne3A_566 = arith.cmpi ne, %rem3A_564, %ne3A_565 : i32
      %lt3A_567 = arith.constant 0 : i32
      %lt3A_568 = arith.cmpi slt, %rem3A_564, %lt3A_567 : i32
      %lt3A_569 = arith.constant 0 : i32
      %lt3A_570 = arith.cmpi slt, %select_n3A_563, %lt3A_569 : i32
      %ne3A_571 = arith.xori %lt3A_568, %lt3A_570 : i1
      %and3A_572 = arith.andi %ne3A_571, %ne3A_566 : i1
      %add3A_573 = arith.addi %rem3A_564, %select_n3A_563 : i32
      %select_n3A_574 = arith.select %and3A_572, %add3A_573, %rem3A_564 : i32
      %dma_start3A_575 = arith.constant 0 : i32
      %dma_start3A_576 = arith.constant 0 : i32
      %dma_start3A_577 = tpu.memref_slice %arg7[%mul3A_556, %dma_start3A_576] : memref<336x128xf32, #tpu.memory_space<vmem>> -> memref<112x128xf32, #tpu.memory_space<vmem>>
      %dma_start3A_578 = arith.constant 0 : i32
      %dma_start3A_579 = tpu.memref_slice %arg6[%select_n3A_536, %dma_start3A_575, %dma_start3A_578] : memref<4x2x112xi32, #tpu.memory_space<vmem>> -> memref<1x1x112xi32, #tpu.memory_space<vmem>>
      %dma_start3A_580 = tpu.memref_squeeze %dma_start3A_579 : memref<1x1x112xi32, #tpu.memory_space<vmem>> -> memref<112xi32, #tpu.memory_space<vmem>>
      %dma_start3A_581 = arith.constant 0 : i32
      %dma_start3A_582 = arith.constant 0 : i32
      %dma_start3A_583 = tpu.memref_slice %arg2[%dma_start3A_581, %dma_start3A_582] : memref<10000x128xf32, #tpu.memory_space<hbm>> -> memref<10000x128xf32, #tpu.memory_space<hbm>>
      %dma_start3A_584 = tpu.memref_slice %arg9[%select_n3A_574] : memref<2x!tpu.dma_semaphore, #tpu.memory_space<semaphore_mem>> -> memref<1x!tpu.dma_semaphore, #tpu.memory_space<semaphore_mem>>
      %dma_start3A_585 = tpu.memref_squeeze %dma_start3A_584 : memref<1x!tpu.dma_semaphore, #tpu.memory_space<semaphore_mem>> -> memref<!tpu.dma_semaphore, #tpu.memory_space<semaphore_mem>>
      tpu.enqueue_indirect_dma source(%dma_start3A_583 : memref<10000x128xf32, #tpu.memory_space<hbm>>) target(%dma_start3A_577 : memref<112x128xf32, #tpu.memory_space<vmem>>) offsets(%dma_start3A_580 : memref<112xi32, #tpu.memory_space<vmem>>) semaphore(%dma_start3A_585 : memref<!tpu.dma_semaphore, #tpu.memory_space<semaphore_mem>>)
      %sub3A_586 = arith.constant 2 : i32
      %sub3A_587 = arith.subi %scan3A_406, %sub3A_586 : i32
      %jit3A_588 = arith.constant 2 : i32
      %eq3A_589 = arith.constant 0 : i32
      %eq3A_590 = arith.cmpi eq, %jit3A_588, %eq3A_589 : i32
      %jit3A_591 = arith.constant 1 : i32
      %select_n3A_592 = arith.select %eq3A_590, %jit3A_591, %jit3A_588 : i32
      %rem3A_593 = arith.remsi %sub3A_587, %select_n3A_592 : i32
      %ne3A_594 = arith.constant 0 : i32
      %ne3A_595 = arith.cmpi ne, %rem3A_593, %ne3A_594 : i32
      %lt3A_596 = arith.constant 0 : i32
      %lt3A_597 = arith.cmpi slt, %rem3A_593, %lt3A_596 : i32
      %lt3A_598 = arith.constant 0 : i32
      %lt3A_599 = arith.cmpi slt, %select_n3A_592, %lt3A_598 : i32
      %ne3A_600 = arith.xori %lt3A_597, %lt3A_599 : i1
      %and3A_601 = arith.andi %ne3A_600, %ne3A_595 : i1
      %add3A_602 = arith.addi %rem3A_593, %select_n3A_592 : i32
      %select_n3A_603 = arith.select %and3A_601, %add3A_602, %rem3A_593 : i32
      %dma_wait3A_604 = arith.constant 0 : i32
      %dma_wait3A_605 = arith.constant 0 : i32
      %dma_wait3A_606 = tpu.memref_slice %arg7[%dma_wait3A_604, %dma_wait3A_605] : memref<336x128xf32, #tpu.memory_space<vmem>> -> memref<112x128xf32, #tpu.memory_space<vmem>>
      %dma_wait3A_607 = arith.constant 0 : i32
      %dma_wait3A_608 = arith.constant 0 : i32
      %dma_wait3A_609 = tpu.memref_slice %arg2[%dma_wait3A_607, %dma_wait3A_608] : memref<10000x128xf32, #tpu.memory_space<hbm>> -> memref<112x128xf32, #tpu.memory_space<hbm>>
      %dma_wait3A_610 = tpu.memref_slice %arg9[%select_n3A_603] : memref<2x!tpu.dma_semaphore, #tpu.memory_space<semaphore_mem>> -> memref<1x!tpu.dma_semaphore, #tpu.memory_space<semaphore_mem>>
      %dma_wait3A_611 = tpu.memref_squeeze %dma_wait3A_610 : memref<1x!tpu.dma_semaphore, #tpu.memory_space<semaphore_mem>> -> memref<!tpu.dma_semaphore, #tpu.memory_space<semaphore_mem>>
      %dma_wait3A_612 = arith.constant 0 : i32
      %dma_wait3A_613 = arith.constant 0 : i32
      %dma_wait3A_614 = tpu.memref_slice %arg7[%dma_wait3A_612, %dma_wait3A_613] : memref<336x128xf32, #tpu.memory_space<vmem>> -> memref<112x128xf32, #tpu.memory_space<vmem>>
      %dma_wait3A_615 = arith.constant 0 : i32
      %dma_wait3A_616 = arith.constant 0 : i32
      %dma_wait3A_617 = tpu.memref_slice %arg2[%dma_wait3A_615, %dma_wait3A_616] : memref<10000x128xf32, #tpu.memory_space<hbm>> -> memref<112x128xf32, #tpu.memory_space<hbm>>
      tpu.wait_dma2 semaphore(%dma_wait3A_611 : memref<!tpu.dma_semaphore, #tpu.memory_space<semaphore_mem>>) src(%dma_wait3A_617 : memref<112x128xf32, #tpu.memory_space<hbm>>) dst(%dma_wait3A_614 : memref<112x128xf32, #tpu.memory_space<vmem>>)
      %sub3A_618 = arith.constant 2 : i32
      %sub3A_619 = arith.subi %scan3A_406, %sub3A_618 : i32
      %jit3A_620 = arith.constant 3 : i32
      %eq3A_621 = arith.constant 0 : i32
      %eq3A_622 = arith.cmpi eq, %jit3A_620, %eq3A_621 : i32
      %jit3A_623 = arith.constant 1 : i32
      %select_n3A_624 = arith.select %eq3A_622, %jit3A_623, %jit3A_620 : i32
      %rem3A_625 = arith.remsi %sub3A_619, %select_n3A_624 : i32
      %ne3A_626 = arith.constant 0 : i32
      %ne3A_627 = arith.cmpi ne, %rem3A_625, %ne3A_626 : i32
      %lt3A_628 = arith.constant 0 : i32
      %lt3A_629 = arith.cmpi slt, %rem3A_625, %lt3A_628 : i32
      %lt3A_630 = arith.constant 0 : i32
      %lt3A_631 = arith.cmpi slt, %select_n3A_624, %lt3A_630 : i32
      %ne3A_632 = arith.xori %lt3A_629, %lt3A_631 : i1
      %and3A_633 = arith.andi %ne3A_632, %ne3A_627 : i1
      %add3A_634 = arith.addi %rem3A_625, %select_n3A_624 : i32
      %select_n3A_635 = arith.select %and3A_633, %add3A_634, %rem3A_625 : i32
      %mul3A_636 = arith.constant 112 : i32
      %mul3A_637 = arith.muli %select_n3A_635, %mul3A_636 : i32
      %sub3A_638 = arith.constant 2 : i32
      %sub3A_639 = arith.subi %scan3A_406, %sub3A_638 : i32
      %jit3A_640 = arith.constant 4 : i32
      %eq3A_641 = arith.constant 0 : i32
      %eq3A_642 = arith.cmpi eq, %jit3A_640, %eq3A_641 : i32
      %jit3A_643 = arith.constant 1 : i32
      %select_n3A_644 = arith.select %eq3A_642, %jit3A_643, %jit3A_640 : i32
      %rem3A_645 = arith.remsi %sub3A_639, %select_n3A_644 : i32
      %ne3A_646 = arith.constant 0 : i32
      %ne3A_647 = arith.cmpi ne, %rem3A_645, %ne3A_646 : i32
      %lt3A_648 = arith.constant 0 : i32
      %lt3A_649 = arith.cmpi slt, %rem3A_645, %lt3A_648 : i32
      %lt3A_650 = arith.constant 0 : i32
      %lt3A_651 = arith.cmpi slt, %select_n3A_644, %lt3A_650 : i32
      %ne3A_652 = arith.xori %lt3A_649, %lt3A_651 : i1
      %and3A_653 = arith.andi %ne3A_652, %ne3A_647 : i1
      %add3A_654 = arith.addi %rem3A_645, %select_n3A_644 : i32
      %select_n3A_655 = arith.select %and3A_653, %add3A_654, %rem3A_645 : i32
      %sub3A_656 = arith.constant 2 : i32
      %sub3A_657 = arith.subi %scan3A_406, %sub3A_656 : i32
      %jit3A_658 = arith.constant 3 : i32
      %eq3A_659 = arith.constant 0 : i32
      %eq3A_660 = arith.cmpi eq, %jit3A_658, %eq3A_659 : i32
      %jit3A_661 = arith.constant 1 : i32
      %select_n3A_662 = arith.select %eq3A_660, %jit3A_661, %jit3A_658 : i32
      %rem3A_663 = arith.remsi %sub3A_657, %select_n3A_662 : i32
      %ne3A_664 = arith.constant 0 : i32
      %ne3A_665 = arith.cmpi ne, %rem3A_663, %ne3A_664 : i32
      %lt3A_666 = arith.constant 0 : i32
      %lt3A_667 = arith.cmpi slt, %rem3A_663, %lt3A_666 : i32
      %lt3A_668 = arith.constant 0 : i32
      %lt3A_669 = arith.cmpi slt, %select_n3A_662, %lt3A_668 : i32
      %ne3A_670 = arith.xori %lt3A_667, %lt3A_669 : i1
      %and3A_671 = arith.andi %ne3A_670, %ne3A_665 : i1
      %add3A_672 = arith.addi %rem3A_663, %select_n3A_662 : i32
      %select_n3A_673 = arith.select %and3A_671, %add3A_672, %rem3A_663 : i32
      %dma_start3A_674 = arith.constant 1 : i32
      %dma_start3A_675 = arith.constant 0 : i32
      %dma_start3A_676 = tpu.memref_slice %arg7[%mul3A_637, %dma_start3A_675] : memref<336x128xf32, #tpu.memory_space<vmem>> -> memref<112x128xf32, #tpu.memory_space<vmem>>
      %dma_start3A_677 = arith.constant 0 : i32
      %dma_start3A_678 = tpu.memref_slice %arg6[%select_n3A_655, %dma_start3A_674, %dma_start3A_677] : memref<4x2x112xi32, #tpu.memory_space<vmem>> -> memref<1x1x112xi32, #tpu.memory_space<vmem>>
      %dma_start3A_679 = tpu.memref_squeeze %dma_start3A_678 : memref<1x1x112xi32, #tpu.memory_space<vmem>> -> memref<112xi32, #tpu.memory_space<vmem>>
      %dma_start3A_680 = arith.constant 0 : i32
      %dma_start3A_681 = arith.constant 0 : i32
      %dma_start3A_682 = tpu.memref_slice %arg8[%dma_start3A_680, %dma_start3A_681] : memref<10112x128xf32, #tpu.memory_space<vmem_shared>> -> memref<10112x128xf32, #tpu.memory_space<vmem_shared>>
      %dma_start3A_683 = tpu.memref_slice %arg10[%select_n3A_673] : memref<3x!tpu.dma_semaphore, #tpu.memory_space<semaphore_mem>> -> memref<1x!tpu.dma_semaphore, #tpu.memory_space<semaphore_mem>>
      %dma_start3A_684 = tpu.memref_squeeze %dma_start3A_683 : memref<1x!tpu.dma_semaphore, #tpu.memory_space<semaphore_mem>> -> memref<!tpu.dma_semaphore, #tpu.memory_space<semaphore_mem>>
      tpu.enqueue_indirect_dma source(%dma_start3A_676 : memref<112x128xf32, #tpu.memory_space<vmem>>) target(%dma_start3A_682 : memref<10112x128xf32, #tpu.memory_space<vmem_shared>>) offsets(%dma_start3A_679 : memref<112xi32, #tpu.memory_space<vmem>>) semaphore(%dma_start3A_684 : memref<!tpu.dma_semaphore, #tpu.memory_space<semaphore_mem>>) {add = true}
    }
    %scan3A_251 = arith.constant 86 : i32
    %dma_wait3A_252 = arith.constant 2 : i32
    %dma_wait3A_253 = arith.constant 0 : i32
    %dma_wait3A_254 = arith.constant 0 : i32
    %dma_wait3A_255 = tpu.memref_slice %arg7[%dma_wait3A_253, %dma_wait3A_254] : memref<336x128xf32, #tpu.memory_space<vmem>> -> memref<112x128xf32, #tpu.memory_space<vmem>>
    %dma_wait3A_256 = arith.constant 0 : i32
    %dma_wait3A_257 = arith.constant 0 : i32
    %dma_wait3A_258 = tpu.memref_slice %arg2[%dma_wait3A_256, %dma_wait3A_257] : memref<10000x128xf32, #tpu.memory_space<hbm>> -> memref<112x128xf32, #tpu.memory_space<hbm>>
    %dma_wait3A_259 = tpu.memref_slice %arg10[%dma_wait3A_252] : memref<3x!tpu.dma_semaphore, #tpu.memory_space<semaphore_mem>> -> memref<1x!tpu.dma_semaphore, #tpu.memory_space<semaphore_mem>>
    %dma_wait3A_260 = tpu.memref_squeeze %dma_wait3A_259 : memref<1x!tpu.dma_semaphore, #tpu.memory_space<semaphore_mem>> -> memref<!tpu.dma_semaphore, #tpu.memory_space<semaphore_mem>>
    %dma_wait3A_261 = arith.constant 0 : i32
    %dma_wait3A_262 = arith.constant 0 : i32
    %dma_wait3A_263 = tpu.memref_slice %arg7[%dma_wait3A_261, %dma_wait3A_262] : memref<336x128xf32, #tpu.memory_space<vmem>> -> memref<112x128xf32, #tpu.memory_space<vmem>>
    %dma_wait3A_264 = arith.constant 0 : i32
    %dma_wait3A_265 = arith.constant 0 : i32
    %dma_wait3A_266 = tpu.memref_slice %arg2[%dma_wait3A_264, %dma_wait3A_265] : memref<10000x128xf32, #tpu.memory_space<hbm>> -> memref<112x128xf32, #tpu.memory_space<hbm>>
    tpu.wait_dma2 semaphore(%dma_wait3A_260 : memref<!tpu.dma_semaphore, #tpu.memory_space<semaphore_mem>>) src(%dma_wait3A_266 : memref<112x128xf32, #tpu.memory_space<hbm>>) dst(%dma_wait3A_263 : memref<112x128xf32, #tpu.memory_space<vmem>>)
    %dma_wait3A_267 = arith.constant 0 : i32
    %dma_wait3A_268 = arith.constant 0 : i32
    %dma_wait3A_269 = arith.constant 1 : i32
    %dma_wait3A_270 = arith.constant 0 : i32
    %dma_wait3A_271 = arith.constant 0 : i32
    %dma_wait3A_272 = tpu.memref_slice %arg6[%dma_wait3A_268, %dma_wait3A_270, %dma_wait3A_271] : memref<4x2x112xi32, #tpu.memory_space<vmem>> -> memref<1x2x112xi32, #tpu.memory_space<vmem>>
    %dma_wait3A_273 = tpu.memref_squeeze %dma_wait3A_272 : memref<1x2x112xi32, #tpu.memory_space<vmem>> -> memref<2x112xi32, #tpu.memory_space<vmem>>
    %dma_wait3A_274 = arith.constant 0 : i32
    %dma_wait3A_275 = arith.constant 0 : i32
    %dma_wait3A_276 = tpu.memref_slice %arg3[%add3A, %dma_wait3A_267, %dma_wait3A_274, %dma_wait3A_275] : memref<32x90x2x112xi32, #tpu.memory_space<hbm>> -> memref<1x1x2x112xi32, #tpu.memory_space<hbm>>
    %dma_wait3A_277 = tpu.memref_squeeze %dma_wait3A_276 : memref<1x1x2x112xi32, #tpu.memory_space<hbm>> -> memref<2x112xi32, #tpu.memory_space<hbm>>
    %dma_wait3A_278 = tpu.memref_slice %arg11[%dma_wait3A_269] : memref<2x!tpu.dma_semaphore, #tpu.memory_space<semaphore_mem>> -> memref<1x!tpu.dma_semaphore, #tpu.memory_space<semaphore_mem>>
    %dma_wait3A_279 = tpu.memref_squeeze %dma_wait3A_278 : memref<1x!tpu.dma_semaphore, #tpu.memory_space<semaphore_mem>> -> memref<!tpu.dma_semaphore, #tpu.memory_space<semaphore_mem>>
    %dma_wait3A_280 = arith.constant 0 : i32
    %dma_wait3A_281 = arith.constant 0 : i32
    %dma_wait3A_282 = tpu.memref_slice %arg6[%dma_wait3A_268, %dma_wait3A_280, %dma_wait3A_281] : memref<4x2x112xi32, #tpu.memory_space<vmem>> -> memref<1x2x112xi32, #tpu.memory_space<vmem>>
    %dma_wait3A_283 = tpu.memref_squeeze %dma_wait3A_282 : memref<1x2x112xi32, #tpu.memory_space<vmem>> -> memref<2x112xi32, #tpu.memory_space<vmem>>
    %dma_wait3A_284 = arith.constant 0 : i32
    %dma_wait3A_285 = arith.constant 0 : i32
    %dma_wait3A_286 = tpu.memref_slice %arg3[%add3A, %dma_wait3A_267, %dma_wait3A_284, %dma_wait3A_285] : memref<32x90x2x112xi32, #tpu.memory_space<hbm>> -> memref<1x1x2x112xi32, #tpu.memory_space<hbm>>
    %dma_wait3A_287 = tpu.memref_squeeze %dma_wait3A_286 : memref<1x1x2x112xi32, #tpu.memory_space<hbm>> -> memref<2x112xi32, #tpu.memory_space<hbm>>
    tpu.wait_dma2 semaphore(%dma_wait3A_279 : memref<!tpu.dma_semaphore, #tpu.memory_space<semaphore_mem>>) src(%dma_wait3A_287 : memref<2x112xi32, #tpu.memory_space<hbm>>) dst(%dma_wait3A_283 : memref<2x112xi32, #tpu.memory_space<vmem>>)
    %dma_start3A_288 = arith.constant 1 : i32
    %dma_start3A_289 = arith.constant 0 : i32
    %dma_start3A_290 = arith.constant 1 : i32
    %dma_start3A_291 = arith.constant 224 : i32
    %dma_start3A_292 = arith.constant 0 : i32
    %dma_start3A_293 = tpu.memref_slice %arg7[%dma_start3A_291, %dma_start3A_292] : memref<336x128xf32, #tpu.memory_space<vmem>> -> memref<112x128xf32, #tpu.memory_space<vmem>>
    %dma_start3A_294 = arith.constant 0 : i32
    %dma_start3A_295 = tpu.memref_slice %arg6[%dma_start3A_288, %dma_start3A_289, %dma_start3A_294] : memref<4x2x112xi32, #tpu.memory_space<vmem>> -> memref<1x1x112xi32, #tpu.memory_space<vmem>>
    %dma_start3A_296 = tpu.memref_squeeze %dma_start3A_295 : memref<1x1x112xi32, #tpu.memory_space<vmem>> -> memref<112xi32, #tpu.memory_space<vmem>>
    %dma_start3A_297 = arith.constant 0 : i32
    %dma_start3A_298 = arith.constant 0 : i32
    %dma_start3A_299 = tpu.memref_slice %arg2[%dma_start3A_297, %dma_start3A_298] : memref<10000x128xf32, #tpu.memory_space<hbm>> -> memref<10000x128xf32, #tpu.memory_space<hbm>>
    %dma_start3A_300 = tpu.memref_slice %arg9[%dma_start3A_290] : memref<2x!tpu.dma_semaphore, #tpu.memory_space<semaphore_mem>> -> memref<1x!tpu.dma_semaphore, #tpu.memory_space<semaphore_mem>>
    %dma_start3A_301 = tpu.memref_squeeze %dma_start3A_300 : memref<1x!tpu.dma_semaphore, #tpu.memory_space<semaphore_mem>> -> memref<!tpu.dma_semaphore, #tpu.memory_space<semaphore_mem>>
    tpu.enqueue_indirect_dma source(%dma_start3A_299 : memref<10000x128xf32, #tpu.memory_space<hbm>>) target(%dma_start3A_293 : memref<112x128xf32, #tpu.memory_space<vmem>>) offsets(%dma_start3A_296 : memref<112xi32, #tpu.memory_space<vmem>>) semaphore(%dma_start3A_301 : memref<!tpu.dma_semaphore, #tpu.memory_space<semaphore_mem>>)
    %dma_wait3A_302 = arith.constant 0 : i32
    %dma_wait3A_303 = arith.constant 0 : i32
    %dma_wait3A_304 = arith.constant 0 : i32
    %dma_wait3A_305 = tpu.memref_slice %arg7[%dma_wait3A_303, %dma_wait3A_304] : memref<336x128xf32, #tpu.memory_space<vmem>> -> memref<112x128xf32, #tpu.memory_space<vmem>>
    %dma_wait3A_306 = arith.constant 0 : i32
    %dma_wait3A_307 = arith.constant 0 : i32
    %dma_wait3A_308 = tpu.memref_slice %arg2[%dma_wait3A_306, %dma_wait3A_307] : memref<10000x128xf32, #tpu.memory_space<hbm>> -> memref<112x128xf32, #tpu.memory_space<hbm>>
    %dma_wait3A_309 = tpu.memref_slice %arg9[%dma_wait3A_302] : memref<2x!tpu.dma_semaphore, #tpu.memory_space<semaphore_mem>> -> memref<1x!tpu.dma_semaphore, #tpu.memory_space<semaphore_mem>>
    %dma_wait3A_310 = tpu.memref_squeeze %dma_wait3A_309 : memref<1x!tpu.dma_semaphore, #tpu.memory_space<semaphore_mem>> -> memref<!tpu.dma_semaphore, #tpu.memory_space<semaphore_mem>>
    %dma_wait3A_311 = arith.constant 0 : i32
    %dma_wait3A_312 = arith.constant 0 : i32
    %dma_wait3A_313 = tpu.memref_slice %arg7[%dma_wait3A_311, %dma_wait3A_312] : memref<336x128xf32, #tpu.memory_space<vmem>> -> memref<112x128xf32, #tpu.memory_space<vmem>>
    %dma_wait3A_314 = arith.constant 0 : i32
    %dma_wait3A_315 = arith.constant 0 : i32
    %dma_wait3A_316 = tpu.memref_slice %arg2[%dma_wait3A_314, %dma_wait3A_315] : memref<10000x128xf32, #tpu.memory_space<hbm>> -> memref<112x128xf32, #tpu.memory_space<hbm>>
    tpu.wait_dma2 semaphore(%dma_wait3A_310 : memref<!tpu.dma_semaphore, #tpu.memory_space<semaphore_mem>>) src(%dma_wait3A_316 : memref<112x128xf32, #tpu.memory_space<hbm>>) dst(%dma_wait3A_313 : memref<112x128xf32, #tpu.memory_space<vmem>>)
    %dma_start3A_317 = arith.constant 0 : i32
    %dma_start3A_318 = arith.constant 1 : i32
    %dma_start3A_319 = arith.constant 1 : i32
    %dma_start3A_320 = arith.constant 112 : i32
    %dma_start3A_321 = arith.constant 0 : i32
    %dma_start3A_322 = tpu.memref_slice %arg7[%dma_start3A_320, %dma_start3A_321] : memref<336x128xf32, #tpu.memory_space<vmem>> -> memref<112x128xf32, #tpu.memory_space<vmem>>
    %dma_start3A_323 = arith.constant 0 : i32
    %dma_start3A_324 = tpu.memref_slice %arg6[%dma_start3A_317, %dma_start3A_318, %dma_start3A_323] : memref<4x2x112xi32, #tpu.memory_space<vmem>> -> memref<1x1x112xi32, #tpu.memory_space<vmem>>
    %dma_start3A_325 = tpu.memref_squeeze %dma_start3A_324 : memref<1x1x112xi32, #tpu.memory_space<vmem>> -> memref<112xi32, #tpu.memory_space<vmem>>
    %dma_start3A_326 = arith.constant 0 : i32
    %dma_start3A_327 = arith.constant 0 : i32
    %dma_start3A_328 = tpu.memref_slice %arg8[%dma_start3A_326, %dma_start3A_327] : memref<10112x128xf32, #tpu.memory_space<vmem_shared>> -> memref<10112x128xf32, #tpu.memory_space<vmem_shared>>
    %dma_start3A_329 = tpu.memref_slice %arg10[%dma_start3A_319] : memref<3x!tpu.dma_semaphore, #tpu.memory_space<semaphore_mem>> -> memref<1x!tpu.dma_semaphore, #tpu.memory_space<semaphore_mem>>
    %dma_start3A_330 = tpu.memref_squeeze %dma_start3A_329 : memref<1x!tpu.dma_semaphore, #tpu.memory_space<semaphore_mem>> -> memref<!tpu.dma_semaphore, #tpu.memory_space<semaphore_mem>>
    tpu.enqueue_indirect_dma source(%dma_start3A_322 : memref<112x128xf32, #tpu.memory_space<vmem>>) target(%dma_start3A_328 : memref<10112x128xf32, #tpu.memory_space<vmem_shared>>) offsets(%dma_start3A_325 : memref<112xi32, #tpu.memory_space<vmem>>) semaphore(%dma_start3A_330 : memref<!tpu.dma_semaphore, #tpu.memory_space<semaphore_mem>>) {add = true}
    %dma_wait3A_331 = arith.constant 0 : i32
    %dma_wait3A_332 = arith.constant 0 : i32
    %dma_wait3A_333 = arith.constant 0 : i32
    %dma_wait3A_334 = tpu.memref_slice %arg7[%dma_wait3A_332, %dma_wait3A_333] : memref<336x128xf32, #tpu.memory_space<vmem>> -> memref<112x128xf32, #tpu.memory_space<vmem>>
    %dma_wait3A_335 = arith.constant 0 : i32
    %dma_wait3A_336 = arith.constant 0 : i32
    %dma_wait3A_337 = tpu.memref_slice %arg2[%dma_wait3A_335, %dma_wait3A_336] : memref<10000x128xf32, #tpu.memory_space<hbm>> -> memref<112x128xf32, #tpu.memory_space<hbm>>
    %dma_wait3A_338 = tpu.memref_slice %arg10[%dma_wait3A_331] : memref<3x!tpu.dma_semaphore, #tpu.memory_space<semaphore_mem>> -> memref<1x!tpu.dma_semaphore, #tpu.memory_space<semaphore_mem>>
    %dma_wait3A_339 = tpu.memref_squeeze %dma_wait3A_338 : memref<1x!tpu.dma_semaphore, #tpu.memory_space<semaphore_mem>> -> memref<!tpu.dma_semaphore, #tpu.memory_space<semaphore_mem>>
    %dma_wait3A_340 = arith.constant 0 : i32
    %dma_wait3A_341 = arith.constant 0 : i32
    %dma_wait3A_342 = tpu.memref_slice %arg7[%dma_wait3A_340, %dma_wait3A_341] : memref<336x128xf32, #tpu.memory_space<vmem>> -> memref<112x128xf32, #tpu.memory_space<vmem>>
    %dma_wait3A_343 = arith.constant 0 : i32
    %dma_wait3A_344 = arith.constant 0 : i32
    %dma_wait3A_345 = tpu.memref_slice %arg2[%dma_wait3A_343, %dma_wait3A_344] : memref<10000x128xf32, #tpu.memory_space<hbm>> -> memref<112x128xf32, #tpu.memory_space<hbm>>
    tpu.wait_dma2 semaphore(%dma_wait3A_339 : memref<!tpu.dma_semaphore, #tpu.memory_space<semaphore_mem>>) src(%dma_wait3A_345 : memref<112x128xf32, #tpu.memory_space<hbm>>) dst(%dma_wait3A_342 : memref<112x128xf32, #tpu.memory_space<vmem>>)
    %dma_wait3A_346 = arith.constant 1 : i32
    %dma_wait3A_347 = arith.constant 0 : i32
    %dma_wait3A_348 = arith.constant 0 : i32
    %dma_wait3A_349 = tpu.memref_slice %arg7[%dma_wait3A_347, %dma_wait3A_348] : memref<336x128xf32, #tpu.memory_space<vmem>> -> memref<112x128xf32, #tpu.memory_space<vmem>>
    %dma_wait3A_350 = arith.constant 0 : i32
    %dma_wait3A_351 = arith.constant 0 : i32
    %dma_wait3A_352 = tpu.memref_slice %arg2[%dma_wait3A_350, %dma_wait3A_351] : memref<10000x128xf32, #tpu.memory_space<hbm>> -> memref<112x128xf32, #tpu.memory_space<hbm>>
    %dma_wait3A_353 = tpu.memref_slice %arg9[%dma_wait3A_346] : memref<2x!tpu.dma_semaphore, #tpu.memory_space<semaphore_mem>> -> memref<1x!tpu.dma_semaphore, #tpu.memory_space<semaphore_mem>>
    %dma_wait3A_354 = tpu.memref_squeeze %dma_wait3A_353 : memref<1x!tpu.dma_semaphore, #tpu.memory_space<semaphore_mem>> -> memref<!tpu.dma_semaphore, #tpu.memory_space<semaphore_mem>>
    %dma_wait3A_355 = arith.constant 0 : i32
    %dma_wait3A_356 = arith.constant 0 : i32
    %dma_wait3A_357 = tpu.memref_slice %arg7[%dma_wait3A_355, %dma_wait3A_356] : memref<336x128xf32, #tpu.memory_space<vmem>> -> memref<112x128xf32, #tpu.memory_space<vmem>>
    %dma_wait3A_358 = arith.constant 0 : i32
    %dma_wait3A_359 = arith.constant 0 : i32
    %dma_wait3A_360 = tpu.memref_slice %arg2[%dma_wait3A_358, %dma_wait3A_359] : memref<10000x128xf32, #tpu.memory_space<hbm>> -> memref<112x128xf32, #tpu.memory_space<hbm>>
    tpu.wait_dma2 semaphore(%dma_wait3A_354 : memref<!tpu.dma_semaphore, #tpu.memory_space<semaphore_mem>>) src(%dma_wait3A_360 : memref<112x128xf32, #tpu.memory_space<hbm>>) dst(%dma_wait3A_357 : memref<112x128xf32, #tpu.memory_space<vmem>>)
    %dma_start3A_361 = arith.constant 1 : i32
    %dma_start3A_362 = arith.constant 1 : i32
    %dma_start3A_363 = arith.constant 2 : i32
    %dma_start3A_364 = arith.constant 224 : i32
    %dma_start3A_365 = arith.constant 0 : i32
    %dma_start3A_366 = tpu.memref_slice %arg7[%dma_start3A_364, %dma_start3A_365] : memref<336x128xf32, #tpu.memory_space<vmem>> -> memref<112x128xf32, #tpu.memory_space<vmem>>
    %dma_start3A_367 = arith.constant 0 : i32
    %dma_start3A_368 = tpu.memref_slice %arg6[%dma_start3A_361, %dma_start3A_362, %dma_start3A_367] : memref<4x2x112xi32, #tpu.memory_space<vmem>> -> memref<1x1x112xi32, #tpu.memory_space<vmem>>
    %dma_start3A_369 = tpu.memref_squeeze %dma_start3A_368 : memref<1x1x112xi32, #tpu.memory_space<vmem>> -> memref<112xi32, #tpu.memory_space<vmem>>
    %dma_start3A_370 = arith.constant 0 : i32
    %dma_start3A_371 = arith.constant 0 : i32
    %dma_start3A_372 = tpu.memref_slice %arg8[%dma_start3A_370, %dma_start3A_371] : memref<10112x128xf32, #tpu.memory_space<vmem_shared>> -> memref<10112x128xf32, #tpu.memory_space<vmem_shared>>
    %dma_start3A_373 = tpu.memref_slice %arg10[%dma_start3A_363] : memref<3x!tpu.dma_semaphore, #tpu.memory_space<semaphore_mem>> -> memref<1x!tpu.dma_semaphore, #tpu.memory_space<semaphore_mem>>
    %dma_start3A_374 = tpu.memref_squeeze %dma_start3A_373 : memref<1x!tpu.dma_semaphore, #tpu.memory_space<semaphore_mem>> -> memref<!tpu.dma_semaphore, #tpu.memory_space<semaphore_mem>>
    tpu.enqueue_indirect_dma source(%dma_start3A_366 : memref<112x128xf32, #tpu.memory_space<vmem>>) target(%dma_start3A_372 : memref<10112x128xf32, #tpu.memory_space<vmem_shared>>) offsets(%dma_start3A_369 : memref<112xi32, #tpu.memory_space<vmem>>) semaphore(%dma_start3A_374 : memref<!tpu.dma_semaphore, #tpu.memory_space<semaphore_mem>>) {add = true}
    %dma_wait3A_375 = arith.constant 1 : i32
    %dma_wait3A_376 = arith.constant 0 : i32
    %dma_wait3A_377 = arith.constant 0 : i32
    %dma_wait3A_378 = tpu.memref_slice %arg7[%dma_wait3A_376, %dma_wait3A_377] : memref<336x128xf32, #tpu.memory_space<vmem>> -> memref<112x128xf32, #tpu.memory_space<vmem>>
    %dma_wait3A_379 = arith.constant 0 : i32
    %dma_wait3A_380 = arith.constant 0 : i32
    %dma_wait3A_381 = tpu.memref_slice %arg2[%dma_wait3A_379, %dma_wait3A_380] : memref<10000x128xf32, #tpu.memory_space<hbm>> -> memref<112x128xf32, #tpu.memory_space<hbm>>
    %dma_wait3A_382 = tpu.memref_slice %arg10[%dma_wait3A_375] : memref<3x!tpu.dma_semaphore, #tpu.memory_space<semaphore_mem>> -> memref<1x!tpu.dma_semaphore, #tpu.memory_space<semaphore_mem>>
    %dma_wait3A_383 = tpu.memref_squeeze %dma_wait3A_382 : memref<1x!tpu.dma_semaphore, #tpu.memory_space<semaphore_mem>> -> memref<!tpu.dma_semaphore, #tpu.memory_space<semaphore_mem>>
    %dma_wait3A_384 = arith.constant 0 : i32
    %dma_wait3A_385 = arith.constant 0 : i32
    %dma_wait3A_386 = tpu.memref_slice %arg7[%dma_wait3A_384, %dma_wait3A_385] : memref<336x128xf32, #tpu.memory_space<vmem>> -> memref<112x128xf32, #tpu.memory_space<vmem>>
    %dma_wait3A_387 = arith.constant 0 : i32
    %dma_wait3A_388 = arith.constant 0 : i32
    %dma_wait3A_389 = tpu.memref_slice %arg2[%dma_wait3A_387, %dma_wait3A_388] : memref<10000x128xf32, #tpu.memory_space<hbm>> -> memref<112x128xf32, #tpu.memory_space<hbm>>
    tpu.wait_dma2 semaphore(%dma_wait3A_383 : memref<!tpu.dma_semaphore, #tpu.memory_space<semaphore_mem>>) src(%dma_wait3A_389 : memref<112x128xf32, #tpu.memory_space<hbm>>) dst(%dma_wait3A_386 : memref<112x128xf32, #tpu.memory_space<vmem>>)
    %dma_wait3A_390 = arith.constant 2 : i32
    %dma_wait3A_391 = arith.constant 0 : i32
    %dma_wait3A_392 = arith.constant 0 : i32
    %dma_wait3A_393 = tpu.memref_slice %arg7[%dma_wait3A_391, %dma_wait3A_392] : memref<336x128xf32, #tpu.memory_space<vmem>> -> memref<112x128xf32, #tpu.memory_space<vmem>>
    %dma_wait3A_394 = arith.constant 0 : i32
    %dma_wait3A_395 = arith.constant 0 : i32
    %dma_wait3A_396 = tpu.memref_slice %arg2[%dma_wait3A_394, %dma_wait3A_395] : memref<10000x128xf32, #tpu.memory_space<hbm>> -> memref<112x128xf32, #tpu.memory_space<hbm>>
    %dma_wait3A_397 = tpu.memref_slice %arg10[%dma_wait3A_390] : memref<3x!tpu.dma_semaphore, #tpu.memory_space<semaphore_mem>> -> memref<1x!tpu.dma_semaphore, #tpu.memory_space<semaphore_mem>>
    %dma_wait3A_398 = tpu.memref_squeeze %dma_wait3A_397 : memref<1x!tpu.dma_semaphore, #tpu.memory_space<semaphore_mem>> -> memref<!tpu.dma_semaphore, #tpu.memory_space<semaphore_mem>>
    %dma_wait3A_399 = arith.constant 0 : i32
    %dma_wait3A_400 = arith.constant 0 : i32
    %dma_wait3A_401 = tpu.memref_slice %arg7[%dma_wait3A_399, %dma_wait3A_400] : memref<336x128xf32, #tpu.memory_space<vmem>> -> memref<112x128xf32, #tpu.memory_space<vmem>>
    %dma_wait3A_402 = arith.constant 0 : i32
    %dma_wait3A_403 = arith.constant 0 : i32
    %dma_wait3A_404 = tpu.memref_slice %arg2[%dma_wait3A_402, %dma_wait3A_403] : memref<10000x128xf32, #tpu.memory_space<hbm>> -> memref<112x128xf32, #tpu.memory_space<hbm>>
    tpu.wait_dma2 semaphore(%dma_wait3A_398 : memref<!tpu.dma_semaphore, #tpu.memory_space<semaphore_mem>>) src(%dma_wait3A_404 : memref<112x128xf32, #tpu.memory_space<hbm>>) dst(%dma_wait3A_401 : memref<112x128xf32, #tpu.memory_space<vmem>>)
    %barrier3A_405 = arith.constant 0 : index
    tpu.barrier barrier_id(%barrier3A_405)
    "tpu.region"() ({
      %run_scoped3A = tpu.sem_alloc : memref<!tpu.dma_semaphore, #tpu.memory_space<semaphore_mem>>
      %dma_start3A_406 = arith.constant 0 : i32
      %dma_start3A_407 = arith.constant 0 : i32
      %dma_start3A_408 = tpu.memref_slice %arg5[%arg0, %dma_start3A_406, %dma_start3A_407] : memref<2x10112x128xf32, #tpu.memory_space<hbm>> -> memref<1x10112x128xf32, #tpu.memory_space<hbm>>
      %dma_start3A_409 = tpu.memref_squeeze %dma_start3A_408 : memref<1x10112x128xf32, #tpu.memory_space<hbm>> -> memref<10112x128xf32, #tpu.memory_space<hbm>>
      %dma_start3A_410 = arith.constant 0 : i32
      %dma_start3A_411 = tpu.memref_slice %dma_start3A_409[%mul3A_2, %dma_start3A_410] : memref<10112x128xf32, #tpu.memory_space<hbm>> -> memref<632x128xf32, #tpu.memory_space<hbm>>
      %dma_start3A_412 = arith.constant 0 : i32
      %dma_start3A_413 = tpu.memref_slice %arg8[%mul3A_2, %dma_start3A_412] : memref<10112x128xf32, #tpu.memory_space<vmem_shared>> -> memref<632x128xf32, #tpu.memory_space<vmem_shared>>
      tpu.enqueue_dma source(%dma_start3A_413 : memref<632x128xf32, #tpu.memory_space<vmem_shared>>) target(%dma_start3A_411 : memref<632x128xf32, #tpu.memory_space<hbm>>) target_semaphore(%run_scoped3A : memref<!tpu.dma_semaphore, #tpu.memory_space<semaphore_mem>>)
      %dma_wait3A_414 = arith.constant 0 : i32
      %dma_wait3A_415 = arith.constant 0 : i32
      %dma_wait3A_416 = tpu.memref_slice %arg5[%arg0, %dma_wait3A_414, %dma_wait3A_415] : memref<2x10112x128xf32, #tpu.memory_space<hbm>> -> memref<1x10112x128xf32, #tpu.memory_space<hbm>>
      %dma_wait3A_417 = tpu.memref_squeeze %dma_wait3A_416 : memref<1x10112x128xf32, #tpu.memory_space<hbm>> -> memref<10112x128xf32, #tpu.memory_space<hbm>>
      %dma_wait3A_418 = arith.constant 0 : i32
      %dma_wait3A_419 = tpu.memref_slice %dma_wait3A_417[%mul3A_2, %dma_wait3A_418] : memref<10112x128xf32, #tpu.memory_space<hbm>> -> memref<632x128xf32, #tpu.memory_space<hbm>>
      %dma_wait3A_420 = arith.constant 0 : i32
      %dma_wait3A_421 = tpu.memref_slice %arg8[%mul3A_2, %dma_wait3A_420] : memref<10112x128xf32, #tpu.memory_space<vmem_shared>> -> memref<632x128xf32, #tpu.memory_space<vmem_shared>>
      tpu.wait_dma2 semaphore(%run_scoped3A : memref<!tpu.dma_semaphore, #tpu.memory_space<semaphore_mem>>) src(%dma_wait3A_421 : memref<632x128xf32, #tpu.memory_space<vmem_shared>>) dst(%dma_wait3A_419 : memref<632x128xf32, #tpu.memory_space<hbm>>)
      tpu.yield
    }) : () -> ()
    return
  }
}

module attributes {stable_mosaic.version = 14 : i64} {
  func.func @_tc_pre_body(%arg0: i32, %arg1: memref<2000x128xf32, #tpu.memory_space<vmem>>, %arg2: memref<128x128xf32, #tpu.memory_space<vmem>>, %arg3: memref<1x128xf32, #tpu.memory_space<vmem>>, %arg4: memref<2000x128xf32, #tpu.memory_space<vmem>>) attributes {dimension_semantics = [#tpu.dimension_semantics<arbitrary>], iteration_bounds = array<i64: 5>, scalar_prefetch = 0 : i64, scratch_operands = 0 : i64, tpu.core_type = #tpu.core_type<tc>, window_params = [{transform_indices = @transform_0, window_bounds = array<i64: 2000, 128>}, {pipeline_mode = #tpu.pipeline_mode<synchronous>, transform_indices = @transform_1, window_bounds = array<i64: 128, 128>}, {pipeline_mode = #tpu.pipeline_mode<synchronous>, transform_indices = @transform_2, window_bounds = array<i64: 1, 128>}, {transform_indices = @transform_3, window_bounds = array<i64: 2000, 128>}]} {
    %get3A = arith.constant 0 : index
    %get3A_0 = arith.constant 0 : index
    %get3A_1 = vector.load %arg1[%get3A, %get3A_0] : memref<2000x128xf32, #tpu.memory_space<vmem>>, vector<2000x128xf32>
    %get3A_2 = arith.constant 0 : index
    %get3A_3 = arith.constant 0 : index
    %get3A_4 = vector.load %arg2[%get3A_2, %get3A_3] : memref<128x128xf32, #tpu.memory_space<vmem>>, vector<128x128xf32>
    %dot_general3A = arith.constant dense<0.000000e+00> : vector<2000x128xf32>
    %dot_general3A_5 = tpu.matmul %get3A_1, %get3A_4, %dot_general3A {dimension_numbers = #tpu.dot_dimension_numbers<[1], [1], [0], [0], [0, 0, 1, 0], [], []>, transpose_lhs_hint = false} : vector<2000x128xf32>, vector<128x128xf32>, vector<2000x128xf32> -> vector<2000x128xf32>
    %mul3A = arith.mulf %get3A_1, %get3A_1 : vector<2000x128xf32>
    %reduce_sum3A = arith.constant dense<0.000000e+00> : vector<2000xf32>
    %reduce_sum3A_6 = vector.multi_reduction <add>, %mul3A, %reduce_sum3A [1] : vector<2000x128xf32> to vector<2000xf32>
    %broadcast_in_dim3A = vector.shape_cast %reduce_sum3A_6 : vector<2000xf32> to vector<2000x1xf32>
    %sqrt3A = math.sqrt %broadcast_in_dim3A : vector<2000x1xf32>
    %jit3A = arith.constant 1.000000e-15 : f32
    %max3A = vector.broadcast %jit3A : f32 to vector<2000x1xf32>
    %max3A_7 = arith.maximumf %max3A, %sqrt3A : vector<2000x1xf32>
    %mul3A_8 = arith.mulf %dot_general3A_5, %dot_general3A_5 : vector<2000x128xf32>
    %reduce_sum3A_9 = arith.constant dense<0.000000e+00> : vector<2000xf32>
    %reduce_sum3A_10 = vector.multi_reduction <add>, %mul3A_8, %reduce_sum3A_9 [1] : vector<2000x128xf32> to vector<2000xf32>
    %broadcast_in_dim3A_11 = vector.shape_cast %reduce_sum3A_10 : vector<2000xf32> to vector<2000x1xf32>
    %sqrt3A_12 = math.sqrt %broadcast_in_dim3A_11 : vector<2000x1xf32>
    %jit3A_13 = arith.constant 1.000000e-15 : f32
    %max3A_14 = vector.broadcast %jit3A_13 : f32 to vector<2000x1xf32>
    %max3A_15 = arith.maximumf %max3A_14, %sqrt3A_12 : vector<2000x1xf32>
    %div3A = arith.divf %max3A_15, %max3A_7 : vector<2000x1xf32>
    %jit3A_16 = arith.constant -0.99999988 : f32
    %jit3A_17 = arith.constant 0.99999988 : f32
    %max3A_18 = vector.broadcast %jit3A_16 : f32 to vector<2000x1xf32>
    %max3A_19 = arith.maximumf %max3A_18, %max3A_7 : vector<2000x1xf32>
    %min3A = vector.broadcast %jit3A_17 : f32 to vector<2000x1xf32>
    %min3A_20 = arith.minimumf %min3A, %max3A_19 : vector<2000x1xf32>
    %log1p3A = math.log1p %min3A_20 : vector<2000x1xf32>
    %neg3A = arith.constant 0.000000e+00 : f32
    %neg3A_21 = vector.broadcast %neg3A : f32 to vector<2000x1xf32>
    %neg3A_22 = arith.subf %neg3A_21, %min3A_20 : vector<2000x1xf32>
    %log1p3A_23 = math.log1p %neg3A_22 : vector<2000x1xf32>
    %sub3A = arith.subf %log1p3A, %log1p3A_23 : vector<2000x1xf32>
    %mul3A_24 = arith.constant 5.000000e-01 : f32
    %mul3A_25 = vector.broadcast %mul3A_24 : f32 to vector<2000x1xf32>
    %mul3A_26 = arith.mulf %mul3A_25, %sub3A : vector<2000x1xf32>
    %mul3A_27 = arith.mulf %div3A, %mul3A_26 : vector<2000x1xf32>
    %tanh3A = math.tanh %mul3A_27 : vector<2000x1xf32>
    %mul3A_28 = vector.broadcast %tanh3A : vector<2000x1xf32> to vector<2000x128xf32>
    %mul3A_29 = arith.mulf %mul3A_28, %dot_general3A_5 : vector<2000x128xf32>
    %div3A_30 = vector.broadcast %max3A_15 : vector<2000x1xf32> to vector<2000x128xf32>
    %div3A_31 = arith.divf %mul3A_29, %div3A_30 : vector<2000x128xf32>
    %eq3A = arith.constant 0.000000e+00 : f32
    %eq3A_32 = vector.broadcast %eq3A : f32 to vector<2000x128xf32>
    %eq3A_33 = arith.cmpf oeq, %dot_general3A_5, %eq3A_32 : vector<2000x128xf32>
    %reduce_and3A = arith.constant 1.000000e+00 : f32
    %reduce_and3A_34 = arith.constant 0.000000e+00 : f32
    %reduce_and3A_35 = vector.broadcast %reduce_and3A : f32 to vector<2000x128xf32>
    %reduce_and3A_36 = vector.broadcast %reduce_and3A_34 : f32 to vector<2000x128xf32>
    %reduce_and3A_37 = arith.select %eq3A_33, %reduce_and3A_35, %reduce_and3A_36 : vector<2000x128xi1>, vector<2000x128xf32>
    %reduce_and3A_38 = arith.constant dense<0x7F800000> : vector<2000xf32>
    %reduce_and3A_39 = vector.multi_reduction <minimumf>, %reduce_and3A_37, %reduce_and3A_38 [1] : vector<2000x128xf32> to vector<2000xf32>
    %reduce_and3A_40 = arith.constant 0.000000e+00 : f32
    %reduce_and3A_41 = vector.broadcast %reduce_and3A_40 : f32 to vector<2000xf32>
    %reduce_and3A_42 = arith.cmpf ogt, %reduce_and3A_39, %reduce_and3A_41 : vector<2000xf32>
    %broadcast_in_dim3A_43 = vector.shape_cast %reduce_and3A_42 : vector<2000xi1> to vector<2000x1xi1>
    %jit3A_44 = arith.constant 0.000000e+00 : f32
    %broadcast_in_dim3A_45 = vector.shape_cast %broadcast_in_dim3A_43 : vector<2000x1xi1> to vector<2000x1xi1>
    %broadcast_in_dim3A_46 = vector.broadcast %broadcast_in_dim3A_45 : vector<2000x1xi1> to vector<2000x128xi1>
    %broadcast_in_dim3A_47 = vector.broadcast %jit3A_44 : f32 to vector<2000x128xf32>
    %select_n3A = arith.select %broadcast_in_dim3A_46, %broadcast_in_dim3A_47, %div3A_31 : vector<2000x128xi1>, vector<2000x128xf32>
    %mul3A_48 = arith.mulf %select_n3A, %select_n3A : vector<2000x128xf32>
    %reduce_sum3A_49 = arith.constant dense<0.000000e+00> : vector<2000xf32>
    %reduce_sum3A_50 = vector.multi_reduction <add>, %mul3A_48, %reduce_sum3A_49 [1] : vector<2000x128xf32> to vector<2000xf32>
    %broadcast_in_dim3A_51 = vector.shape_cast %reduce_sum3A_50 : vector<2000xf32> to vector<2000x1xf32>
    %sqrt3A_52 = math.sqrt %broadcast_in_dim3A_51 : vector<2000x1xf32>
    %jit3A_53 = arith.constant 1.000000e-15 : f32
    %max3A_54 = vector.broadcast %jit3A_53 : f32 to vector<2000x1xf32>
    %max3A_55 = arith.maximumf %max3A_54, %sqrt3A_52 : vector<2000x1xf32>
    %gt3A = arith.constant 0.995999991 : f32
    %gt3A_56 = vector.broadcast %gt3A : f32 to vector<2000x1xf32>
    %gt3A_57 = arith.cmpf ogt, %max3A_55, %gt3A_56 : vector<2000x1xf32>
    %div3A_58 = vector.broadcast %max3A_55 : vector<2000x1xf32> to vector<2000x128xf32>
    %div3A_59 = arith.divf %select_n3A, %div3A_58 : vector<2000x128xf32>
    %mul3A_60 = arith.constant 0.995999991 : f32
    %mul3A_61 = vector.broadcast %mul3A_60 : f32 to vector<2000x128xf32>
    %mul3A_62 = arith.mulf %div3A_59, %mul3A_61 : vector<2000x128xf32>
    %broadcast_in_dim3A_63 = vector.shape_cast %gt3A_57 : vector<2000x1xi1> to vector<2000x1xi1>
    %broadcast_in_dim3A_64 = vector.broadcast %broadcast_in_dim3A_63 : vector<2000x1xi1> to vector<2000x128xi1>
    %select_n3A_65 = arith.select %broadcast_in_dim3A_64, %mul3A_62, %select_n3A : vector<2000x128xi1>, vector<2000x128xf32>
    %get3A_66 = arith.constant 0 : index
    %get3A_67 = arith.constant 0 : index
    %get3A_68 = vector.load %arg3[%get3A_66, %get3A_67] : memref<1x128xf32, #tpu.memory_space<vmem>>, vector<1x128xf32>
    %mul3A_69 = arith.mulf %get3A_68, %get3A_68 : vector<1x128xf32>
    %reduce_sum3A_70 = arith.constant dense<0.000000e+00> : vector<1xf32>
    %reduce_sum3A_71 = vector.multi_reduction <add>, %mul3A_69, %reduce_sum3A_70 [1] : vector<1x128xf32> to vector<1xf32>
    %broadcast_in_dim3A_72 = vector.shape_cast %reduce_sum3A_71 : vector<1xf32> to vector<1x1xf32>
    %sqrt3A_73 = math.sqrt %broadcast_in_dim3A_72 : vector<1x1xf32>
    %jit3A_74 = arith.constant 1.000000e-15 : f32
    %max3A_75 = vector.broadcast %jit3A_74 : f32 to vector<1x1xf32>
    %max3A_76 = arith.maximumf %max3A_75, %sqrt3A_73 : vector<1x1xf32>
    %tanh3A_77 = math.tanh %max3A_76 : vector<1x1xf32>
    %mul3A_78 = vector.broadcast %tanh3A_77 : vector<1x1xf32> to vector<1x128xf32>
    %mul3A_79 = arith.mulf %mul3A_78, %get3A_68 : vector<1x128xf32>
    %div3A_80 = vector.broadcast %max3A_76 : vector<1x1xf32> to vector<1x128xf32>
    %div3A_81 = arith.divf %mul3A_79, %div3A_80 : vector<1x128xf32>
    %mul3A_82 = arith.mulf %div3A_81, %div3A_81 : vector<1x128xf32>
    %reduce_sum3A_83 = arith.constant dense<0.000000e+00> : vector<1xf32>
    %reduce_sum3A_84 = vector.multi_reduction <add>, %mul3A_82, %reduce_sum3A_83 [1] : vector<1x128xf32> to vector<1xf32>
    %broadcast_in_dim3A_85 = vector.shape_cast %reduce_sum3A_84 : vector<1xf32> to vector<1x1xf32>
    %sqrt3A_86 = math.sqrt %broadcast_in_dim3A_85 : vector<1x1xf32>
    %jit3A_87 = arith.constant 1.000000e-15 : f32
    %max3A_88 = vector.broadcast %jit3A_87 : f32 to vector<1x1xf32>
    %max3A_89 = arith.maximumf %max3A_88, %sqrt3A_86 : vector<1x1xf32>
    %gt3A_90 = arith.constant 0.995999991 : f32
    %gt3A_91 = vector.broadcast %gt3A_90 : f32 to vector<1x1xf32>
    %gt3A_92 = arith.cmpf ogt, %max3A_89, %gt3A_91 : vector<1x1xf32>
    %div3A_93 = vector.broadcast %max3A_89 : vector<1x1xf32> to vector<1x128xf32>
    %div3A_94 = arith.divf %div3A_81, %div3A_93 : vector<1x128xf32>
    %mul3A_95 = arith.constant 0.995999991 : f32
    %mul3A_96 = vector.broadcast %mul3A_95 : f32 to vector<1x128xf32>
    %mul3A_97 = arith.mulf %div3A_94, %mul3A_96 : vector<1x128xf32>
    %broadcast_in_dim3A_98 = vector.shape_cast %gt3A_92 : vector<1x1xi1> to vector<1x1xi1>
    %broadcast_in_dim3A_99 = vector.broadcast %broadcast_in_dim3A_98 : vector<1x1xi1> to vector<1x128xi1>
    %select_n3A_100 = arith.select %broadcast_in_dim3A_99, %mul3A_97, %div3A_81 : vector<1x128xi1>, vector<1x128xf32>
    %mul3A_101 = arith.mulf %select_n3A_65, %select_n3A_65 : vector<2000x128xf32>
    %reduce_sum3A_102 = arith.constant dense<0.000000e+00> : vector<2000xf32>
    %reduce_sum3A_103 = vector.multi_reduction <add>, %mul3A_101, %reduce_sum3A_102 [1] : vector<2000x128xf32> to vector<2000xf32>
    %broadcast_in_dim3A_104 = vector.shape_cast %reduce_sum3A_103 : vector<2000xf32> to vector<2000x1xf32>
    %mul3A_105 = arith.mulf %select_n3A_100, %select_n3A_100 : vector<1x128xf32>
    %reduce_sum3A_106 = arith.constant dense<0.000000e+00> : vector<1xf32>
    %reduce_sum3A_107 = vector.multi_reduction <add>, %mul3A_105, %reduce_sum3A_106 [1] : vector<1x128xf32> to vector<1xf32>
    %broadcast_in_dim3A_108 = vector.shape_cast %reduce_sum3A_107 : vector<1xf32> to vector<1x1xf32>
    %mul3A_109 = vector.broadcast %select_n3A_100 : vector<1x128xf32> to vector<2000x128xf32>
    %mul3A_110 = arith.mulf %select_n3A_65, %mul3A_109 : vector<2000x128xf32>
    %reduce_sum3A_111 = arith.constant dense<0.000000e+00> : vector<2000xf32>
    %reduce_sum3A_112 = vector.multi_reduction <add>, %mul3A_110, %reduce_sum3A_111 [1] : vector<2000x128xf32> to vector<2000xf32>
    %broadcast_in_dim3A_113 = vector.shape_cast %reduce_sum3A_112 : vector<2000xf32> to vector<2000x1xf32>
    %mul3A_114 = arith.constant 2.000000e+00 : f32
    %mul3A_115 = vector.broadcast %mul3A_114 : f32 to vector<2000x1xf32>
    %mul3A_116 = arith.mulf %mul3A_115, %broadcast_in_dim3A_113 : vector<2000x1xf32>
    %add3A = arith.constant 1.000000e+00 : f32
    %add3A_117 = vector.broadcast %add3A : f32 to vector<2000x1xf32>
    %add3A_118 = arith.addf %add3A_117, %mul3A_116 : vector<2000x1xf32>
    %add3A_119 = vector.broadcast %broadcast_in_dim3A_108 : vector<1x1xf32> to vector<2000x1xf32>
    %add3A_120 = arith.addf %add3A_118, %add3A_119 : vector<2000x1xf32>
    %mul3A_121 = vector.broadcast %add3A_120 : vector<2000x1xf32> to vector<2000x128xf32>
    %mul3A_122 = arith.mulf %mul3A_121, %select_n3A_65 : vector<2000x128xf32>
    %sub3A_123 = arith.constant 1.000000e+00 : f32
    %sub3A_124 = vector.broadcast %sub3A_123 : f32 to vector<2000x1xf32>
    %sub3A_125 = arith.subf %sub3A_124, %broadcast_in_dim3A_104 : vector<2000x1xf32>
    %mul3A_126 = vector.broadcast %sub3A_125 : vector<2000x1xf32> to vector<2000x128xf32>
    %mul3A_127 = vector.broadcast %select_n3A_100 : vector<1x128xf32> to vector<2000x128xf32>
    %mul3A_128 = arith.mulf %mul3A_126, %mul3A_127 : vector<2000x128xf32>
    %add3A_129 = arith.addf %mul3A_122, %mul3A_128 : vector<2000x128xf32>
    %mul3A_130 = arith.constant 2.000000e+00 : f32
    %mul3A_131 = vector.broadcast %mul3A_130 : f32 to vector<2000x1xf32>
    %mul3A_132 = arith.mulf %mul3A_131, %broadcast_in_dim3A_113 : vector<2000x1xf32>
    %add3A_133 = arith.constant 1.000000e+00 : f32
    %add3A_134 = vector.broadcast %add3A_133 : f32 to vector<2000x1xf32>
    %add3A_135 = arith.addf %add3A_134, %mul3A_132 : vector<2000x1xf32>
    %mul3A_136 = vector.broadcast %broadcast_in_dim3A_108 : vector<1x1xf32> to vector<2000x1xf32>
    %mul3A_137 = arith.mulf %broadcast_in_dim3A_104, %mul3A_136 : vector<2000x1xf32>
    %add3A_138 = arith.addf %add3A_135, %mul3A_137 : vector<2000x1xf32>
    %jit3A_139 = arith.constant 1.000000e-15 : f32
    %max3A_140 = vector.broadcast %jit3A_139 : f32 to vector<2000x1xf32>
    %max3A_141 = arith.maximumf %max3A_140, %add3A_138 : vector<2000x1xf32>
    %div3A_142 = vector.broadcast %max3A_141 : vector<2000x1xf32> to vector<2000x128xf32>
    %div3A_143 = arith.divf %add3A_129, %div3A_142 : vector<2000x128xf32>
    %mul3A_144 = arith.mulf %div3A_143, %div3A_143 : vector<2000x128xf32>
    %reduce_sum3A_145 = arith.constant dense<0.000000e+00> : vector<2000xf32>
    %reduce_sum3A_146 = vector.multi_reduction <add>, %mul3A_144, %reduce_sum3A_145 [1] : vector<2000x128xf32> to vector<2000xf32>
    %broadcast_in_dim3A_147 = vector.shape_cast %reduce_sum3A_146 : vector<2000xf32> to vector<2000x1xf32>
    %sqrt3A_148 = math.sqrt %broadcast_in_dim3A_147 : vector<2000x1xf32>
    %jit3A_149 = arith.constant 1.000000e-15 : f32
    %max3A_150 = vector.broadcast %jit3A_149 : f32 to vector<2000x1xf32>
    %max3A_151 = arith.maximumf %max3A_150, %sqrt3A_148 : vector<2000x1xf32>
    %gt3A_152 = arith.constant 0.995999991 : f32
    %gt3A_153 = vector.broadcast %gt3A_152 : f32 to vector<2000x1xf32>
    %gt3A_154 = arith.cmpf ogt, %max3A_151, %gt3A_153 : vector<2000x1xf32>
    %div3A_155 = vector.broadcast %max3A_151 : vector<2000x1xf32> to vector<2000x128xf32>
    %div3A_156 = arith.divf %div3A_143, %div3A_155 : vector<2000x128xf32>
    %mul3A_157 = arith.constant 0.995999991 : f32
    %mul3A_158 = vector.broadcast %mul3A_157 : f32 to vector<2000x128xf32>
    %mul3A_159 = arith.mulf %div3A_156, %mul3A_158 : vector<2000x128xf32>
    %broadcast_in_dim3A_160 = vector.shape_cast %gt3A_154 : vector<2000x1xi1> to vector<2000x1xi1>
    %broadcast_in_dim3A_161 = vector.broadcast %broadcast_in_dim3A_160 : vector<2000x1xi1> to vector<2000x128xi1>
    %select_n3A_162 = arith.select %broadcast_in_dim3A_161, %mul3A_159, %div3A_143 : vector<2000x128xi1>, vector<2000x128xf32>
    %mul3A_163 = arith.mulf %select_n3A_162, %select_n3A_162 : vector<2000x128xf32>
    %reduce_sum3A_164 = arith.constant dense<0.000000e+00> : vector<2000xf32>
    %reduce_sum3A_165 = vector.multi_reduction <add>, %mul3A_163, %reduce_sum3A_164 [1] : vector<2000x128xf32> to vector<2000xf32>
    %broadcast_in_dim3A_166 = vector.shape_cast %reduce_sum3A_165 : vector<2000xf32> to vector<2000x1xf32>
    %sqrt3A_167 = math.sqrt %broadcast_in_dim3A_166 : vector<2000x1xf32>
    %jit3A_168 = arith.constant 1.000000e-15 : f32
    %max3A_169 = vector.broadcast %jit3A_168 : f32 to vector<2000x1xf32>
    %max3A_170 = arith.maximumf %max3A_169, %sqrt3A_167 : vector<2000x1xf32>
    %jit3A_171 = arith.constant -0.99999988 : f32
    %jit3A_172 = arith.constant 0.99999988 : f32
    %max3A_173 = vector.broadcast %jit3A_171 : f32 to vector<2000x1xf32>
    %max3A_174 = arith.maximumf %max3A_173, %max3A_170 : vector<2000x1xf32>
    %min3A_175 = vector.broadcast %jit3A_172 : f32 to vector<2000x1xf32>
    %min3A_176 = arith.minimumf %min3A_175, %max3A_174 : vector<2000x1xf32>
    %log1p3A_177 = math.log1p %min3A_176 : vector<2000x1xf32>
    %neg3A_178 = arith.constant 0.000000e+00 : f32
    %neg3A_179 = vector.broadcast %neg3A_178 : f32 to vector<2000x1xf32>
    %neg3A_180 = arith.subf %neg3A_179, %min3A_176 : vector<2000x1xf32>
    %log1p3A_181 = math.log1p %neg3A_180 : vector<2000x1xf32>
    %sub3A_182 = arith.subf %log1p3A_177, %log1p3A_181 : vector<2000x1xf32>
    %mul3A_183 = arith.constant 5.000000e-01 : f32
    %mul3A_184 = vector.broadcast %mul3A_183 : f32 to vector<2000x1xf32>
    %mul3A_185 = arith.mulf %mul3A_184, %sub3A_182 : vector<2000x1xf32>
    %mul3A_186 = vector.broadcast %mul3A_185 : vector<2000x1xf32> to vector<2000x128xf32>
    %mul3A_187 = arith.mulf %mul3A_186, %select_n3A_162 : vector<2000x128xf32>
    %div3A_188 = vector.broadcast %max3A_170 : vector<2000x1xf32> to vector<2000x128xf32>
    %div3A_189 = arith.divf %mul3A_187, %div3A_188 : vector<2000x128xf32>
    %swap3A = arith.constant 0 : index
    %swap3A_190 = arith.constant 0 : index
    %swap3A_191 = vector.load %arg4[%swap3A, %swap3A_190] : memref<2000x128xf32, #tpu.memory_space<vmem>>, vector<2000x128xf32>
    tpu.vector_store %arg4[%swap3A, %swap3A_190], %div3A_189 {strides = array<i32>} : memref<2000x128xf32, #tpu.memory_space<vmem>>, vector<2000x128xf32>,
    return
  }
  func.func @transform_0(%arg0: i32) -> (i32, i32) {
    %c0_i32 = arith.constant 0 : i32
    %c0_i32_0 = arith.constant 0 : i32
    return %arg0, %c0_i32 : i32, i32
  }
  func.func @transform_1(%arg0: i32) -> (i32, i32) {
    %c0_i32 = arith.constant 0 : i32
    %c0_i32_0 = arith.constant 0 : i32
    %c0_i32_1 = arith.constant 0 : i32
    return %c0_i32, %c0_i32_0 : i32, i32
  }
  func.func @transform_2(%arg0: i32) -> (i32, i32) {
    %c0_i32 = arith.constant 0 : i32
    %c0_i32_0 = arith.constant 0 : i32
    %c0_i32_1 = arith.constant 0 : i32
    return %c0_i32, %c0_i32_0 : i32, i32
  }
  func.func @transform_3(%arg0: i32) -> (i32, i32) {
    %c0_i32 = arith.constant 0 : i32
    %c0_i32_0 = arith.constant 0 : i32
    return %arg0, %c0_i32 : i32, i32
  }
}

module attributes {stable_mosaic.version = 14 : i64} {
  func.func @_tc_post_body(%arg0: i32, %arg1: memref<2x2000x128xf32, #tpu.memory_space<vmem>>, %arg2: memref<2000x128xf32, #tpu.memory_space<vmem>>) attributes {dimension_semantics = [#tpu.dimension_semantics<arbitrary>], iteration_bounds = array<i64: 5>, scalar_prefetch = 0 : i64, scratch_operands = 0 : i64, tpu.core_type = #tpu.core_type<tc>, window_params = [{transform_indices = @transform_0, window_bounds = array<i64: 2, 2000, 128>}, {transform_indices = @transform_1, window_bounds = array<i64: 2000, 128>}]} {
    %get3A = arith.constant 0 : index
    %get3A_0 = arith.constant 0 : index
    %get3A_1 = arith.constant 0 : index
    %get3A_2 = vector.load %arg1[%get3A, %get3A_0, %get3A_1] : memref<2x2000x128xf32, #tpu.memory_space<vmem>>, vector<1x2000x128xf32>
    %get3A_3 = vector.shape_cast %get3A_2 : vector<1x2000x128xf32> to vector<2000x128xf32>
    %get3A_4 = arith.constant 1 : index
    %get3A_5 = arith.constant 0 : index
    %get3A_6 = arith.constant 0 : index
    %get3A_7 = vector.load %arg1[%get3A_4, %get3A_5, %get3A_6] : memref<2x2000x128xf32, #tpu.memory_space<vmem>>, vector<1x2000x128xf32>
    %get3A_8 = vector.shape_cast %get3A_7 : vector<1x2000x128xf32> to vector<2000x128xf32>
    %add3A = arith.addf %get3A_3, %get3A_8 : vector<2000x128xf32>
    %mul3A = arith.mulf %add3A, %add3A : vector<2000x128xf32>
    %reduce_sum3A = arith.constant dense<0.000000e+00> : vector<2000xf32>
    %reduce_sum3A_9 = vector.multi_reduction <add>, %mul3A, %reduce_sum3A [1] : vector<2000x128xf32> to vector<2000xf32>
    %broadcast_in_dim3A = vector.shape_cast %reduce_sum3A_9 : vector<2000xf32> to vector<2000x1xf32>
    %sqrt3A = math.sqrt %broadcast_in_dim3A : vector<2000x1xf32>
    %jit3A = arith.constant 1.000000e-15 : f32
    %max3A = vector.broadcast %jit3A : f32 to vector<2000x1xf32>
    %max3A_10 = arith.maximumf %max3A, %sqrt3A : vector<2000x1xf32>
    %tanh3A = math.tanh %max3A_10 : vector<2000x1xf32>
    %mul3A_11 = vector.broadcast %tanh3A : vector<2000x1xf32> to vector<2000x128xf32>
    %mul3A_12 = arith.mulf %mul3A_11, %add3A : vector<2000x128xf32>
    %div3A = vector.broadcast %max3A_10 : vector<2000x1xf32> to vector<2000x128xf32>
    %div3A_13 = arith.divf %mul3A_12, %div3A : vector<2000x128xf32>
    %mul3A_14 = arith.mulf %div3A_13, %div3A_13 : vector<2000x128xf32>
    %reduce_sum3A_15 = arith.constant dense<0.000000e+00> : vector<2000xf32>
    %reduce_sum3A_16 = vector.multi_reduction <add>, %mul3A_14, %reduce_sum3A_15 [1] : vector<2000x128xf32> to vector<2000xf32>
    %broadcast_in_dim3A_17 = vector.shape_cast %reduce_sum3A_16 : vector<2000xf32> to vector<2000x1xf32>
    %sqrt3A_18 = math.sqrt %broadcast_in_dim3A_17 : vector<2000x1xf32>
    %jit3A_19 = arith.constant 1.000000e-15 : f32
    %max3A_20 = vector.broadcast %jit3A_19 : f32 to vector<2000x1xf32>
    %max3A_21 = arith.maximumf %max3A_20, %sqrt3A_18 : vector<2000x1xf32>
    %gt3A = arith.constant 0.995999991 : f32
    %gt3A_22 = vector.broadcast %gt3A : f32 to vector<2000x1xf32>
    %gt3A_23 = arith.cmpf ogt, %max3A_21, %gt3A_22 : vector<2000x1xf32>
    %div3A_24 = vector.broadcast %max3A_21 : vector<2000x1xf32> to vector<2000x128xf32>
    %div3A_25 = arith.divf %div3A_13, %div3A_24 : vector<2000x128xf32>
    %mul3A_26 = arith.constant 0.995999991 : f32
    %mul3A_27 = vector.broadcast %mul3A_26 : f32 to vector<2000x128xf32>
    %mul3A_28 = arith.mulf %div3A_25, %mul3A_27 : vector<2000x128xf32>
    %broadcast_in_dim3A_29 = vector.shape_cast %gt3A_23 : vector<2000x1xi1> to vector<2000x1xi1>
    %broadcast_in_dim3A_30 = vector.broadcast %broadcast_in_dim3A_29 : vector<2000x1xi1> to vector<2000x128xi1>
    %select_n3A = arith.select %broadcast_in_dim3A_30, %mul3A_28, %div3A_13 : vector<2000x128xi1>, vector<2000x128xf32>
    %mul3A_31 = arith.mulf %select_n3A, %select_n3A : vector<2000x128xf32>
    %reduce_sum3A_32 = arith.constant dense<0.000000e+00> : vector<2000xf32>
    %reduce_sum3A_33 = vector.multi_reduction <add>, %mul3A_31, %reduce_sum3A_32 [1] : vector<2000x128xf32> to vector<2000xf32>
    %broadcast_in_dim3A_34 = vector.shape_cast %reduce_sum3A_33 : vector<2000xf32> to vector<2000x1xf32>
    %sqrt3A_35 = math.sqrt %broadcast_in_dim3A_34 : vector<2000x1xf32>
    %jit3A_36 = arith.constant 1.000000e-15 : f32
    %max3A_37 = vector.broadcast %jit3A_36 : f32 to vector<2000x1xf32>
    %max3A_38 = arith.maximumf %max3A_37, %sqrt3A_35 : vector<2000x1xf32>
    %jit3A_39 = arith.constant -0.99999988 : f32
    %jit3A_40 = arith.constant 0.99999988 : f32
    %max3A_41 = vector.broadcast %jit3A_39 : f32 to vector<2000x1xf32>
    %max3A_42 = arith.maximumf %max3A_41, %max3A_38 : vector<2000x1xf32>
    %min3A = vector.broadcast %jit3A_40 : f32 to vector<2000x1xf32>
    %min3A_43 = arith.minimumf %min3A, %max3A_42 : vector<2000x1xf32>
    %log1p3A = math.log1p %min3A_43 : vector<2000x1xf32>
    %neg3A = arith.constant 0.000000e+00 : f32
    %neg3A_44 = vector.broadcast %neg3A : f32 to vector<2000x1xf32>
    %neg3A_45 = arith.subf %neg3A_44, %min3A_43 : vector<2000x1xf32>
    %log1p3A_46 = math.log1p %neg3A_45 : vector<2000x1xf32>
    %sub3A = arith.subf %log1p3A, %log1p3A_46 : vector<2000x1xf32>
    %mul3A_47 = arith.constant 5.000000e-01 : f32
    %mul3A_48 = vector.broadcast %mul3A_47 : f32 to vector<2000x1xf32>
    %mul3A_49 = arith.mulf %mul3A_48, %sub3A : vector<2000x1xf32>
    %mul3A_50 = vector.broadcast %mul3A_49 : vector<2000x1xf32> to vector<2000x128xf32>
    %mul3A_51 = arith.mulf %mul3A_50, %select_n3A : vector<2000x128xf32>
    %div3A_52 = vector.broadcast %max3A_38 : vector<2000x1xf32> to vector<2000x128xf32>
    %div3A_53 = arith.divf %mul3A_51, %div3A_52 : vector<2000x128xf32>
    %max3A_54 = arith.constant 0.000000e+00 : f32
    %max3A_55 = vector.broadcast %max3A_54 : f32 to vector<2000x128xf32>
    %max3A_56 = arith.maximumf %div3A_53, %max3A_55 : vector<2000x128xf32>
    %mul3A_57 = arith.mulf %max3A_56, %max3A_56 : vector<2000x128xf32>
    %reduce_sum3A_58 = arith.constant dense<0.000000e+00> : vector<2000xf32>
    %reduce_sum3A_59 = vector.multi_reduction <add>, %mul3A_57, %reduce_sum3A_58 [1] : vector<2000x128xf32> to vector<2000xf32>
    %broadcast_in_dim3A_60 = vector.shape_cast %reduce_sum3A_59 : vector<2000xf32> to vector<2000x1xf32>
    %sqrt3A_61 = math.sqrt %broadcast_in_dim3A_60 : vector<2000x1xf32>
    %jit3A_62 = arith.constant 1.000000e-15 : f32
    %max3A_63 = vector.broadcast %jit3A_62 : f32 to vector<2000x1xf32>
    %max3A_64 = arith.maximumf %max3A_63, %sqrt3A_61 : vector<2000x1xf32>
    %tanh3A_65 = math.tanh %max3A_64 : vector<2000x1xf32>
    %mul3A_66 = vector.broadcast %tanh3A_65 : vector<2000x1xf32> to vector<2000x128xf32>
    %mul3A_67 = arith.mulf %mul3A_66, %max3A_56 : vector<2000x128xf32>
    %div3A_68 = vector.broadcast %max3A_64 : vector<2000x1xf32> to vector<2000x128xf32>
    %div3A_69 = arith.divf %mul3A_67, %div3A_68 : vector<2000x128xf32>
    %mul3A_70 = arith.mulf %div3A_69, %div3A_69 : vector<2000x128xf32>
    %reduce_sum3A_71 = arith.constant dense<0.000000e+00> : vector<2000xf32>
    %reduce_sum3A_72 = vector.multi_reduction <add>, %mul3A_70, %reduce_sum3A_71 [1] : vector<2000x128xf32> to vector<2000xf32>
    %broadcast_in_dim3A_73 = vector.shape_cast %reduce_sum3A_72 : vector<2000xf32> to vector<2000x1xf32>
    %sqrt3A_74 = math.sqrt %broadcast_in_dim3A_73 : vector<2000x1xf32>
    %jit3A_75 = arith.constant 1.000000e-15 : f32
    %max3A_76 = vector.broadcast %jit3A_75 : f32 to vector<2000x1xf32>
    %max3A_77 = arith.maximumf %max3A_76, %sqrt3A_74 : vector<2000x1xf32>
    %gt3A_78 = arith.constant 0.995999991 : f32
    %gt3A_79 = vector.broadcast %gt3A_78 : f32 to vector<2000x1xf32>
    %gt3A_80 = arith.cmpf ogt, %max3A_77, %gt3A_79 : vector<2000x1xf32>
    %div3A_81 = vector.broadcast %max3A_77 : vector<2000x1xf32> to vector<2000x128xf32>
    %div3A_82 = arith.divf %div3A_69, %div3A_81 : vector<2000x128xf32>
    %mul3A_83 = arith.constant 0.995999991 : f32
    %mul3A_84 = vector.broadcast %mul3A_83 : f32 to vector<2000x128xf32>
    %mul3A_85 = arith.mulf %div3A_82, %mul3A_84 : vector<2000x128xf32>
    %broadcast_in_dim3A_86 = vector.shape_cast %gt3A_80 : vector<2000x1xi1> to vector<2000x1xi1>
    %broadcast_in_dim3A_87 = vector.broadcast %broadcast_in_dim3A_86 : vector<2000x1xi1> to vector<2000x128xi1>
    %select_n3A_88 = arith.select %broadcast_in_dim3A_87, %mul3A_85, %div3A_69 : vector<2000x128xi1>, vector<2000x128xf32>
    %swap3A = arith.constant 0 : index
    %swap3A_89 = arith.constant 0 : index
    %swap3A_90 = vector.load %arg2[%swap3A, %swap3A_89] : memref<2000x128xf32, #tpu.memory_space<vmem>>, vector<2000x128xf32>
    tpu.vector_store %arg2[%swap3A, %swap3A_89], %select_n3A_88 {strides = array<i32>} : memref<2000x128xf32, #tpu.memory_space<vmem>>, vector<2000x128xf32>,
    return
  }
  func.func @transform_0(%arg0: i32) -> (i32, i32, i32) {
    %c0_i32 = arith.constant 0 : i32
    %c0_i32_0 = arith.constant 0 : i32
    %c0_i32_1 = arith.constant 0 : i32
    return %c0_i32, %arg0, %c0_i32_0 : i32, i32, i32
  }
  func.func @transform_1(%arg0: i32) -> (i32, i32) {
    %c0_i32 = arith.constant 0 : i32
    %c0_i32_0 = arith.constant 0 : i32
    return %arg0, %c0_i32 : i32, i32
  }
}

</mosaic_0001>

<sc_bundles>
// kernel: kernel.5.cloned.1.call-start
scs
__scs_entry_jumppad:
0x0: {  	(pc) =	sbr.rel $0x88, $3  }
0x1: {  	(tag) =	ssettag $0x0;
	lr =	simm.s32 $0x1  }
0x2: {  	[smem:$0x3F9D] =	sst lr;
	_ =	strace $0xD0000000  }
0x3: {  	_ = 	snop  }
0x4: {  	_ = 	snop  }
0x5: {  	_ = 	snop  }
0x6: {  	_ = 	snop  }
0x7: {  	_ = 	snop  }
__scs_overlays_trampoline_lowered:
0x8: {  	[smem:$0x3FAC] =	sst s0  }
0x9: {  	[smem:$0x3FAD] =	sst s1  }
0xa: {  	[smem:$0x3FAE] =	sst s2  }
0xb: {  	[smem:$0x3FAF] =	sst s3  }
0xc: {  	[smem:$0x3FB0] =	sst s4  }
0xd: {  	[smem:$0x3FB1] =	sst s5  }
0xe: {  	[smem:$0x3FB2] =	sst s6  }
0xf: {  	[smem:$0x3FB3] =	sst s7  }
0x10: {  	[smem:$0x3FB4] =	sst s8  }
0x11: {  	[smem:$0x3FB5] =	sst s9;
	s0 =	simm.s32 @!p0 $0x0  }
0x12: {  	s1 =	sld [smem:$0x3F9B];
	s0 =	simm.s32 @p0 $0x1  }
0x13: {  	[smem:$0x3FB6] =	sst s0;
	s0 =	simm.s32 @!p1 $0x0  }
0x14: {  	s2 =	sld [smem:$0x3F9A];
	s0 =	simm.s32 @p1 $0x1  }
0x15: {  	[smem:$0x3FB7] =	sst s0;
	s0 =	simm.s32 @!p2 $0x0  }
0x16: {  	s3 =	sld [smem:$0x3FDB];
	s0 =	simm.s32 @p2 $0x1  }
0x17: {  	s4 =	simm.s32 $0x1BF5;
	[smem:$0x3FB9] =	sst s0  }
0x18: {  	s0 =	sld [smem:$0x3F9C];
	_ =	swait.ge [sflag:s4], $0x0  }
0x19: {  	s7 =	sld [smem:$0x3F9D]  }
0x1a: {  	s8 =	sadd.s32 $0xFFFFE003, lr  }
0x1b: {  	s9 =	sadd.s32 $0xFFFFFEF7, lr;
	s5 =	simm.s32 $0xFFFFFFFF;
	p2 =	slt.u32 s8, $0xFFFFF086  }
0x1c: {  	p1 =	slt.u32 s9, $0xF7A;
	s5 =	simm.s32 @!p2 $0x0  }
0x1d: {  	s5 =	simm.s32 @p1 $0x1;
	p0 =	seq.s32 s7, s2  }
0x1e: {  	s7 =	smul.u32 @!p0 $0xF7A, s2;
	p2 =	seq.s32 @!p0 s5, $0x0  }
0x1f: {  	s9 =	smul.u32 $0xF7A, s1;
	s8 =	simm.s32 @!p0 $0x1BF5;
	p2 =	por !p2, p0  }
0x20: {  	[sflag:s8] =	ssyncset.s32 @!p0 $0xFFFFF086;
	s6 =	sadd.s32 @!p0 s3, s7;
	s7 =	simm.s32 @!p0 $0x108  }
0x21: {  	s3 =	sadd.s32 s3, s9;
	s6 =	sadd.s32 @!p0 $0x88, s6;
	s7 =	simm.s32 @p2 $0x1082  }
0x22: {  	[simem:s7], [sflag:s8] =	dma.local @!p0 [hbm:s6], $0xF7A  }
0x23: {  	s9 =	sor.u32 $0xD0000000, s2;
	s6 =	simm.s32 $0x108;
	_ =	swait.ge @!p0 [sflag:s8], $0x0  }
0x24: {  	s3 =	sadd.s32 $0x88, s3;
	s6 =	simm.s32 @!p1 $0x1082;
	[sflag:s4] =	ssyncset.s32 $0xFFFFF086  }
0x25: {  	[simem:s6], [sflag:s4] =	dma.local [hbm:s3], $0xF7A  }
0x26: {  	[smem:$0x3F9D] =	sst s1;
	(tag) =	ssettag s2;
	_ =	strace s9  }
0x27: {  	s1 =	sld [smem:$0x3FAD]  }
0x28: {  	s2 =	sld [smem:$0x3FAE]  }
0x29: {  	s4 =	sld [smem:$0x3FB0]  }
0x2a: {  	p0 =	seq.s32 s5, $0x0;
	s5 =	sld [smem:$0x3FB1]  }
0x2b: {  	s6 =	sld [smem:$0x3FB2]  }
0x2c: {  	s7 =	sld [smem:$0x3FB3]  }
0x2d: {  	s3 =	simm.s32 $0x108;
	s8 =	sld [smem:$0x3FB4]  }
0x2e: {  	s3 =	simm.s32 @!p0 $0x1082;
	s9 =	sld [smem:$0x3FB5]  }
0x2f: {  	lr =	sadd.s32 s0, s3;
	s0 =	sld [smem:$0x3FAC]  }
0x30: {  	s3 =	sld [smem:$0x3FAF]  }
0x31: {  	[smem:$0x3FB8] =	sst s10  }
0x32: {  	s10 =	sld [smem:$0x3FB6];
	_ =	sdelay $0x3  }
0x33: {  	p0 =	seq.s32 s10, $0x1;
	s10 =	sld [smem:$0x3FB8];
	_ =	sdelay $0x3  }
0x34: {  	[smem:$0x3FB8] =	sst s10  }
0x35: {  	s10 =	sld [smem:$0x3FB7];
	_ =	sdelay $0x3  }
0x36: {  	p1 =	seq.s32 s10, $0x1;
	s10 =	sld [smem:$0x3FB8];
	_ =	sdelay $0x3  }
0x37: {  	[smem:$0x3FB8] =	sst s10  }
0x38: {  	s10 =	sld [smem:$0x3FB9]  }
0x39: {  	_ = 	snop;
	(pc) =	sbr.ind lr, $3  }
0x3a: {  	_ = 	snop  }
0x3b: {  	_ = 	snop  }
0x3c: {  	p2 =	seq.s32 s10, $0x1;
	s10 =	sld [smem:$0x3FB8]  }
0x3d: {  	_ =	shalt  }
0x3e: {  	_ =	shalt  }
0x3f: {  	_ =	shalt  }
0x40: {  	_ =	shalt  }
0x41: {  	_ =	shalt  }
0x42: {  	_ =	shalt  }
0x43: {  	_ =	shalt  }
0x44: {  	_ =	shalt  }
0x45: {  	_ =	shalt  }
0x46: {  	_ =	shalt  }
0x47: {  	_ =	shalt  }
0x48: {  	_ =	shalt  }
0x49: {  	_ =	shalt  }
0x4a: {  	_ =	shalt  }
0x4b: {  	_ =	shalt  }
0x4c: {  	_ =	shalt  }
0x4d: {  	_ =	shalt  }
0x4e: {  	_ =	shalt  }
0x4f: {  	_ =	shalt  }
0x50: {  	_ =	shalt  }
0x51: {  	_ =	shalt  }
0x52: {  	_ =	shalt  }
0x53: {  	_ =	shalt  }
0x54: {  	_ =	shalt  }
0x55: {  	_ =	shalt  }
0x56: {  	_ =	shalt  }
0x57: {  	_ =	shalt  }
0x58: {  	_ =	shalt  }
0x59: {  	_ =	shalt  }
0x5a: {  	_ =	shalt  }
0x5b: {  	_ =	shalt  }
0x5c: {  	_ =	shalt  }
0x5d: {  	_ =	shalt  }
0x5e: {  	_ =	shalt  }
0x5f: {  	_ =	shalt  }
0x60: {  	_ =	shalt  }
0x61: {  	_ =	shalt  }
0x62: {  	_ =	shalt  }
0x63: {  	_ =	shalt  }
0x64: {  	_ =	shalt  }
0x65: {  	_ =	shalt  }
0x66: {  	_ =	shalt  }
0x67: {  	_ =	shalt  }
0x68: {  	_ =	shalt  }
0x69: {  	_ =	shalt  }
0x6a: {  	_ =	shalt  }
0x6b: {  	_ =	shalt  }
0x6c: {  	_ =	shalt  }
0x6d: {  	_ =	shalt  }
0x6e: {  	_ =	shalt  }
0x6f: {  	_ =	shalt  }
0x70: {  	_ =	shalt  }
0x71: {  	_ =	shalt  }
0x72: {  	_ =	shalt  }
0x73: {  	_ =	shalt  }
0x74: {  	_ =	shalt  }
0x75: {  	_ =	shalt  }
0x76: {  	_ =	shalt  }
0x77: {  	_ =	shalt  }
0x78: {  	_ =	shalt  }
0x79: {  	_ =	shalt  }
0x7a: {  	_ =	shalt  }
0x7b: {  	_ =	shalt  }
0x7c: {  	_ =	shalt  }
0x7d: {  	_ =	shalt  }
0x7e: {  	_ =	shalt  }
0x7f: {  	_ =	shalt  }
0x80: {  	_ =	shalt  }
0x81: {  	_ =	shalt  }
0x82: {  	_ =	shalt  }
0x83: {  	_ =	shalt  }
0x84: {  	_ =	shalt  }
0x85: {  	_ =	shalt  }
0x86: {  	_ =	shalt  }
0x87: {  	_ =	shalt  }
.Lfunc_end0:
.L_simem_size_0:
called_computation_lowered:
.L_overlay_start_0:
0x88: {  	s2 =	sld [smem:$0x3FD9]  }
0x89: {  	s3 =	sld [smem:$0x3FFE];
	_ =	sdelay $0x1  }
0x8a: {  	s1 =	srdreg.scid  }
0x8b: {  	s0 =	sand.u32 $0x1, s1  }
0x8c: {  	s14 =	sshll.u32 s0, $0xA;
	s2 =	sadd.s32 s3, s2  }
0x8d: {  	s2 =	sadd.s32 s2, s14  }
0x8e: {  	[smem:$0x3FC4] =	sst s2  }
0x8f: {  	_ = 	snop  }
0x90: {  	s2 =	sld [smem:$0x3FD0];
	_ =	sdelay $0x2  }
0x91: {  	s15 =	simm.s32 $0xA;
	s4 =	simm.s32 $0x10  }
0x92: {  	[smem:s4], [sflag:s15] =	dma.local [hbm:s2], $0x1  }
0x93: {  	_ =	swait.eq [sflag:s15], $0x1  }
0x94: {  	[sflag:s15] =	ssyncset.done $0x0  }
0x95: {  	s16 =	sld [smem:$0x10];
	[sflag:s15] =	ssyncadd.s32 $0xFFFFFFFF  }
0x96: {  	s17 =	sld [smem:$0x11];
	(tm) =	ssettm $0x1  }
0x97: {  	s18 =	sld [smem:$0x3FFB];
	_ =	sdelay $0x3  }
0x98: {  	_ =	strace s18  }
0x99: {  	s4 =	sld [smem:$0x3FFC];
	_ =	sdelay $0x3  }
0x9a: {  	_ =	strace s4  }
0x9b: {  	s4 =	sld [smem:$0x3FFD];
	_ =	sdelay $0x3  }
0x9c: {  	_ =	strace s4  }
0x9d: {  	_ =	strace $0x8FFFFFFF  }
0x9e: {  	s19 =	sld [smem:$0x3FDB];
	_ =	sdelay $0x1  }
0x9f: {  	s5 =	simm.s32 $_scs_section_size  }
0xa0: {  	s6 =	simm.s32 $_size__tile_overlayer_lowered;
	s7 =	simm.s32 $_tile_overlayer_lowered  }
0xa1: {  	s22 =	simm.s32 $0x1BFF;
	s21 =	sshll.u32 s7, $0x1;
	s4 =	sadd.s32 s5, s19  }
0xa2: {  	s8 =	simm.s32 $0x0;
	s20 =	sshll.u32 s6, $0x1;
	s6 =	sadd.s32 s21, s4  }
0xa3: {  	[timem:s8], [sflag:s22] =	dma.local [hbm:s6], s20  }
0xa4: {  	_ =	swait.ge [sflag:s22], s20  }
0xa5: {  	s5 =	ssub.s32 $0x0, s20;
	[sflag:s22] =	ssyncset.done $0x0  }
0xa6: {  	[sflag:s22] =	ssyncadd.s32 s5;
	_ =	sdelay $0x1  }
0xa7: {  	s23 =	simm.s32 $0x1B8B  }
0xa8: {  	_ =	swait.ge [sflag:s23], $0x1  }
0xa9: {  	[sflag:s23] =	ssyncset.done $0x0  }
0xaa: {  	s25 =	simm.s32 $0x1B8E;
	s24 =	sld [smem:$0x3FFE];
	[sflag:s23] =	ssyncadd.s32 $0xFFFFFFFF  }
0xab: {  	s26 =	simm.s32 $execute0_lowered;
	[smem:$0x3FD2] =	sst s25  }
0xac: {  	s6 =	sshll.u32 s26, $0x1;
	_ =	strace $0x80000046;
	[dreg:$0x1] =	wrdreg $0xFFFFFFFF  }
0xad: {  	s28 =	simm.s32 $_size_execute0_lowered;
	s4 =	sadd.s32 s4, s6;
	[dreg:$0x0] =	wrdreg $0x0  }
0xae: {  	s6 =	sshll.u32 s28, $0x1;
	[dreg:$0x2] =	wrdreg s4  }
0xaf: {  	[dreg:$0x3] =	wrdreg s6  }
0xb0: {  	[dreg:$0x4] =	wrdreg $0xC0  }
0xb1: {  	_ =	task [dreg:s8], $0x5FFFF  }
0xb2: {  	[dreg:$0x1] =	wrdreg $0xFFFFFFFF  }
0xb3: {  	[dreg:$0x0] =	wrdreg $0x60  }
0xb4: {  	[dreg:$0x2] =	wrdreg s16  }
0xb5: {  	[dreg:$0x3] =	wrdreg s24  }
0xb6: {  	[dreg:$0x4] =	wrdreg s17  }
0xb7: {  	[dreg:$0x5] =	wrdreg $0xAC000  }
0xb8: {  	[dreg:$0x6] =	wrdreg $0x9  }
0xb9: {  	_ =	task.clear_ibuf [dreg:s8], $0x7FFFF;
	_ =	strace $0x90000046  }
0xba: {  	s29 =	simm.s32 $0x9;
	_ =	strace $0x80000048  }
0xbb: {  	_ =	swait.ge [sflag:s29], $0x1  }
0xbc: {  	[sflag:s29] =	ssyncadd.s32 $0xFFFFFFFF  }
0xbd: {  	_ =	strace $0x90000048  }
0xbe: {  	_ =	sfence  }
0xbf: {  	s30 =	sld [smem:$0x0];
	_ =	sdelay $0x2  }
0xc0: {  	s31 =	sshll.u32 s1, $0xD;
	s1 =	sshrl.u32 s1, $0x2  }
0xc1: {  	s3 =	sand.u32 $0x4000, s31;
	s1 =	sadd.s32 s1, s30  }
0xc2: {  	s0 =	sor.u32 s3, s0;
	s1 =	sshll.u32 s1, $0x11  }
0xc3: {  	s0 =	sor.u32 s1, s0  }
0xc4: {  	s0 =	sadd.s32 $0x8F2B, s0  }
0xc5: {  	[sflag:s0] =	ssyncadd.remote.s32 $0x1  }
0xc6: {  	_ =	sfence.sel $0xFFFF  }
0xc7: {  	[dreg:$0x0] =	wrdreg $0xFFFFFFFF;
	(pc) =	sbr.abs _section_cstart, $3  }
0xc8: {  	[dreg:$0x1] =	wrdreg $0xFFFFFFFF  }
0xc9: {  	_ =	task.clear_ibuf [dreg:s8], $0x2FFFF;
	_ =	strace $0x9FFFFFFF  }
0xca: {  	(tm) =	ssettm $0x7FFFFFFF  }
0xcb: {  	_ =	shalt  }
tec
execute0_lowered:
.L_overlay_start_1:
0x0: {  	(tag) =	ssettag $0x1  }
0x1: {  	s1 =	rddreg [dreg:$0x0]  }
0x2: {  	s0 =	rddreg [dreg:$0x1]  }
0x3: {  	s3 =	rddreg [dreg:$0x3]  }
0x4: {  	s5 =	simm.s32 $0x0;
	s2 =	srdreg.scid;
	s12 =	stileid.u32  }
0x5: {  	s14 =	simm.s32 $0x8;
	s16 =	simm.s32 $0x6;
	s17 =	simm.s32 $0x70  }
0x6: {  	s19 =	simm.s32 $0x7;
	s15 =	simm.s32 $0x180;
	s29 =	simm.s32 $0x5  }
0x7: {  	s30 =	simm.s32 $0x3;
	s31 =	simm.s32 $0x4;
	s8 =	smul.u32 $0x4F000, s12  }
0x8: {  	[smem:$0x7FF] =	sst s5;
	s2 =	sand.u32 $0x1, s2;
	s22 =	smul.u32 $0xB400, s12  }
0x9: {  	s6 =	sshll.u32 s12, $0x1;
	s9 =	sadd.s32 $0x1000, s0;
	s28 =	smul.u32 $0x2780, s12  }
0xa: {  	s24 =	sshll.u32 s12, $0x6;
	s12 =	simm.s32 $0x80;
	s4 =	smul.u32 $0x27800, s2  }
0xb: {  	s7 =	ssub.s32 $0x2, s2;
	s6 =	sor.u32 s2, s6;
	s2 =	smul.u32 $0x5A00, s2  }
0xc: {  	_ =	strace $0x80000047;
	s10 =	sshrl.u32 s7, $0x1;
	s6 =	smul.u32 $0x5A00, s6  }
0xd: {  	s23 =	sshrl.u32 s8, $0x2;
	s0 =	sadd.s32 s4, s0;
	s21 =	ssub.s32 s7, s10  }
0xe: {  	s11 =	sadd.s32 s23, s3;
	s7 =	sor.u32 $0x1C08, s24;
	s2 =	sadd.s32 s2, s22  }
0xf: {  	s10 =	simm.s32 $0x7400;
	s6 =	sshrl.u32 s6, $0x3;
	s2 =	sadd.s32 $0x400, s2  }
0x10: {  	s0 =	sadd.s32 $0x17800, s0;
	s4 =	smax.u32 s21, $0x1;
	s13 =	sshrl.u32 s11, $0x3  }
0x11: {  	s11 =	simm.s32 $0x3C00;
	s6 =	sadd.s32 s9, s6;
	[dreg:$0x9] =	wrdreg s4  }
0x12: {  	s21 =	simm.s32 $0x1;
	s0 =	sadd.s32 s28, s0;
	[dreg:$0x5] =	wrdreg s6  }
0x13: {  	s2 =	sshrl.u32 s2, $0x3;
	s25 =	sadd.s32 $0x20, s6;
	[dreg:$0xa] =	wrdreg s0  }
0x14: {  	s4 =	simm.s32 $0x100;
	s26 =	sadd.s32 $0x40, s6;
	[dreg:$0x6] =	wrdreg s25  }
0x15: {  	s6 =	sadd.s32 $0x60, s6;
	s8 =	sadd.s32 s2, s9;
	[dreg:$0x7] =	wrdreg s26  }
0x16: {  	s0 =	simm.s32 $0x0;
	[dreg:$0x8] =	wrdreg s6;
	s26 =	simm.s32 $0x2  }
.LBB2_1:
0x17: {  	s2 =	rddreg [dreg:$0x2]  }
0x18: {  	[spmem:s13], [sflag:s7] =	dma.local [hbm:s2], $0x2780  }
0x19: {  	_ =	swait.ge [sflag:s14], $0x2780  }
0x1a: {  	[sflag:s14] =	ssyncset.done $0x0  }
0x1b: {  	[sflag:s14] =	ssyncadd.s32 $0xFFFFD880  }
0x1c: {  	[bflag:$0x0] =	sbarrier.arrive $0xFFFF  }
0x1d: {  	s6 =	rddreg [dreg:$0x5]  }
0x1e: {  	[tilespmem:s5], [sflag:$0x6] =	stream.linear.gather [hbm4b:s6+s5], $0x100, $0x38;
	[tilespmem:$0x1E800] =	vst v63  }
0x1f: {  	s9 =	rddreg [dreg:$0x6]  }
0x20: {  	[tilespmem:s4], [sflag:$0x7] =	stream.linear.gather [hbm4b:s9+s5], $0x100, $0x38;
	[tilespmem:$0x1E800] =	vst v63  }
0x21: {  	_ =	swait.ge [sflag:s16], $0x100  }
0x22: {  	[sflag:s16] =	ssyncset.done $0x0  }
0x23: {  	s9 =	simm.s32 $0x400;
	[sflag:s16] =	ssyncadd.s32 $0xFFFFFF00  }
0x24: {  	[tilespmem:s9], [sflag:$0x1] =	stream.indirect.gather [hbm4b:s1+s17], $0x80, s5, s17, $0xb8;
	[tilespmem:$0x1E800] =	vst v63  }
0x25: {  	s6 =	simm.s32 $0x200;
	s18 =	rddreg [dreg:$0x7]  }
0x26: {  	[tilespmem:s6], [sflag:$0x6] =	stream.linear.gather [hbm4b:s18+s5], $0x100, $0x38;
	[tilespmem:$0x1E800] =	vst v63  }
0x27: {  	_ =	swait.ge [sflag:s19], $0x100  }
0x28: {  	s23 =	simm.s32 $0x0;
	[sflag:s19] =	ssyncset.done $0x0  }
0x29: {  	s2 =	smul.u32 $0x56, s23;
	[sflag:s19] =	ssyncadd.s32 $0xFFFFFF00  }
0x2a: {  	[tilespmem:s11], [sflag:$0x2] =	stream.indirect.gather [hbm4b:s1+s17], $0x80, s4, s17, $0xb8;
	[tilespmem:$0x1E800] =	vst v63  }
0x2b: {  	s22 =	simm.s32 $0x300;
	_ =	swait.ge [sflag:s21], $0x3800  }
0x2c: {  	s24 =	sshrl.u32 s2, $0x1F;
	s2 =	sshrl.u32 s2, $0x8;
	[sflag:s21] =	ssyncset.done $0x0  }
0x2d: {  	s25 =	simm.s32 $0x3;
	s2 =	sadd.s32 s24, s2;
	[sflag:s21] =	ssyncadd.s32 $0xFFFFC800  }
0x2e: {  	[spmem:s3] =	stream.indirect.scatter.add.f32 [tilespmem:s9], [sflag:$0x3], $0x80, s12, s17, $0xb8;
	[tilespmem:$0x1E800] =	vst v63  }
0x2f: {  	s28 =	simm.s32 $0x3;
	s2 =	smul.u32 $0x3, s2;
	s20 =	rddreg [dreg:$0x8]  }
0x30: {  	[tilespmem:s22], [sflag:$0x7] =	stream.linear.gather [hbm4b:s20+s5], $0x100, $0x38;
	[tilespmem:$0x1E800] =	vst v63  }
0x31: {  	s23 =	simm.s32 $0x300;
	s2 =	ssub.s32 $0x0, s2;
	_ =	swait.ge [sflag:s16], $0x100  }
0x32: {  	s2 =	sshll.u32 s2, $0x18;
	s9 =	sand.u32 $0x300, s9;
	[sflag:s16] =	ssyncset.done $0x0  }
0x33: {  	s22 =	sshra.s32 s2, $0x18;
	s20 =	sand.u32 $0x1, s31;
	[sflag:s16] =	ssyncadd.s32 $0xFFFFFF00  }
0x34: {  	[tilespmem:s10], [sflag:$0x1] =	stream.indirect.gather [hbm4b:s1+s17], $0x80, s6, s17, $0xb8;
	[tilespmem:$0x1E800] =	vst v63  }
0x35: {  	s6 =	simm.s32 $0x200;
	s10 =	smul.u32 $0x56, s28;
	_ =	swait.ge [sflag:s26], $0x3800  }
0x36: {  	p0 =	slt.s32 s22, $0x0;
	s12 =	sand.u32 $0x300, s6;
	[sflag:s26] =	ssyncset.done $0x0  }
0x37: {  	s18 =	sshrl.u32 s10, $0x1F;
	s10 =	sshrl.u32 s10, $0x8;
	s2 =	sor.u32 $0x80, s12  }
0x38: {  	[sflag:s26] =	ssyncadd.s32 $0xFFFFC800;
	s10 =	sadd.s32 s18, s10;
	s18 =	sadd.s32 $0x3, s22  }
0x39: {  	[spmem:s3] =	stream.indirect.scatter.add.f32 [tilespmem:s11], [sflag:$0x4], $0x80, s15, s17, $0xb8;
	[tilespmem:$0x1E800] =	vst v63  }
0x3a: {  	s10 =	smul.u32 $0x3, s10;
	s22 =	smov.u32 @p0 s18;
	s15 =	simm.s32 $0x2  }
0x3b: {  	s11 =	sand.u32 $0x1, s25;
	s18 =	sadd.s32 $0x3, s22;
	s12 =	smul.u32 $0x56, s15  }
0x3c: {  	s25 =	sor.u32 $0x6, s20;
	s10 =	ssub.s32 $0x3, s10;
	_ =	swait.ge [sflag:s18], $0x3800  }
0x3d: {  	s10 =	sshll.u32 s10, $0x18;
	[sflag:s18] =	ssyncset.done $0x0;
	s24 =	sshrl.u32 s12, $0x1F  }
0x3e: {  	s12 =	sshrl.u32 s12, $0x8;
	[sflag:s18] =	ssyncadd.s32 $0xFFFFC800;
	s28 =	sshra.s32 s10, $0x18  }
0x3f: {  	[tilespmem:s9], [sflag:s25] =	stream.linear.gather [hbm4b:s8+s5], $0x100, $0x38;
	[tilespmem:$0x1E800] =	vst v63  }
0x40: {  	s12 =	sadd.s32 s24, s12;
	p0 =	slt.s32 s28, $0x0;
	s9 =	sadd.s32 $0x3, s28  }
0x41: {  	s4 =	simm.s32 $0x500;
	s12 =	smul.u32 $0x3, s12;
	s28 =	smov.u32 @p0 s9  }
0x42: {  	s24 =	sor.u32 $0x6, s11;
	s10 =	sadd.s32 $0x1, s20;
	s9 =	smul.u32 $0xE000, s28  }
0x43: {  	s18 =	sadd.s32 $0x1, s11;
	_ =	swait.ge [sflag:s24], $0x100;
	s12 =	ssub.s32 $0x2, s12  }
0x44: {  	[sflag:s24] =	ssyncset.done $0x0;
	s28 =	sshll.u32 s12, $0x18;
	s9 =	sshra.s32 s9, $0x2  }
0x45: {  	[sflag:s24] =	ssyncadd.s32 $0xFFFFFF00;
	s11 =	sshra.s32 s28, $0x18;
	s22 =	sor.u32 $0x400, s9  }
0x46: {  	p0 =	slt.s32 s11, $0x0;
	s12 =	sadd.s32 $0x3, s11;
	s9 =	sand.u32 $0x300, s23  }
0x47: {  	s23 =	simm.s32 $0x5;
	s11 =	smov.u32 @p0 s12;
	s12 =	smov.u32 s8  }
.LBB2_2:
0x48: {  	[tilespmem:s22], [sflag:s18] =	stream.indirect.gather [hbm4b:s1+s17], $0x80, s9, s17, $0xb8;
	[tilespmem:$0x1E800] =	vst v63  }
0x49: {  	s18 =	smov.u32 s4  }
0x4a: {  	p0 =	sne.s32 s4, $0x5900;
	s9 =	smul.u32 $0xE000, s11;
	_ =	swait.ge [sflag:s10], $0x3800  }
0x4b: {  	s4 =	sadd.s32 $0x100, s4;
	s11 =	sadd.s32 $0x3, s11;
	[sflag:s10] =	ssyncset.done $0x0  }
0x4c: {  	s22 =	sadd.s32 $0xFFFFFFFC, s23;
	s9 =	sshra.s32 s9, $0x2;
	[sflag:s10] =	ssyncadd.s32 $0xFFFFC800  }
0x4d: {  	s12 =	sadd.s32 $0x20, s12;
	s10 =	sshll.u32 s22, $0x18;
	s9 =	sor.u32 $0x400, s9  }
0x4e: {  	[spmem:s3] =	stream.indirect.scatter.add.f32 [tilespmem:s9], [sflag:s11], $0x80, s2, s17, $0xb8;
	[tilespmem:$0x1E800] =	vst v63  }
0x4f: {  	s2 =	sshra.s32 s10, $0x18  }
0x50: {  	s2 =	smul.u32 $0x56, s2  }
0x51: {  	s10 =	sadd.s32 $0xFFFFFFFF, s23  }
0x52: {  	s11 =	sshll.u32 s10, $0x18;
	s9 =	sshrl.u32 s2, $0x1F;
	s2 =	sshrl.u32 s2, $0x8  }
0x53: {  	s24 =	sand.u32 $0x1, s10;
	s11 =	sshra.s32 s11, $0x18;
	s2 =	sadd.s32 s9, s2  }
0x54: {  	s28 =	sadd.s32 $0xFFFFFE00, s18;
	s9 =	sadd.s32 $0xFFFFFF00, s18;
	s2 =	smul.u32 $0x3, s2  }
0x55: {  	s6 =	sadd.s32 $0xFFFFFFFE, s23;
	s28 =	sand.u32 $0x300, s28;
	s11 =	smul.u32 $0x56, s11  }
0x56: {  	s15 =	sshll.u32 s6, $0x18;
	s22 =	ssub.s32 s22, s2;
	s2 =	sor.u32 $0x80, s28  }
0x57: {  	s28 =	sshrl.u32 s11, $0x1F;
	s11 =	sshrl.u32 s11, $0x8;
	s22 =	sshll.u32 s22, $0x18  }
0x58: {  	s15 =	sshra.s32 s15, $0x18;
	s11 =	sadd.s32 s28, s11;
	s22 =	sshra.s32 s22, $0x18  }
0x59: {  	s11 =	smul.u32 $0x3, s11;
	p1 =	slt.s32 s22, $0x0;
	s28 =	sadd.s32 $0x3, s22  }
0x5a: {  	s15 =	smul.u32 $0x56, s15;
	s18 =	sand.u32 $0x300, s18;
	s22 =	smov.u32 @p1 s28  }
0x5b: {  	s28 =	sand.u32 $0x1, s23;
	s10 =	ssub.s32 s10, s11;
	s22 =	sadd.s32 $0x3, s22  }
0x5c: {  	s11 =	sor.u32 $0x6, s28;
	s10 =	sshll.u32 s10, $0x18;
	_ =	swait.ge [sflag:s22], $0x3800  }
0x5d: {  	s20 =	sshra.s32 s10, $0x18;
	s10 =	sshrl.u32 s15, $0x1F;
	[sflag:s22] =	ssyncset.done $0x0  }
0x5e: {  	s15 =	sshrl.u32 s15, $0x8;
	p1 =	slt.s32 s20, $0x0;
	[sflag:s22] =	ssyncadd.s32 $0xFFFFC800  }
0x5f: {  	s25 =	sadd.s32 $0x3, s20;
	s15 =	sadd.s32 s10, s15;
	s22 =	sor.u32 $0x6, s24  }
0x60: {  	s10 =	sadd.s32 $0x1, s28;
	s20 =	smov.u32 @p1 s25;
	s15 =	smul.u32 $0x3, s15  }
0x61: {  	[tilespmem:s18], [sflag:s11] =	stream.linear.gather [hbm4b:s12+s5], $0x100, $0x38;
	[tilespmem:$0x1E800] =	vst v63  }
0x62: {  	s11 =	smul.u32 $0xE000, s20  }
.Ltmp0:
0x63: {  	s6 =	ssub.s32 s6, s15;
	_ =	swait.ge [sflag:s22], $0x100;
	(pc) =	sbr.rel @p0 .LBB2_2-.Ltmp0, $4  }
0x64: {  	s6 =	sshll.u32 s6, $0x18;
	s18 =	sadd.s32 $0x1, s24;
	[sflag:s22] =	ssyncset.done $0x0  }
0x65: {  	s15 =	sshra.s32 s11, $0x2;
	s11 =	sshra.s32 s6, $0x18;
	[sflag:s22] =	ssyncadd.s32 $0xFFFFFF00  }
0x66: {  	s22 =	sor.u32 $0x400, s15;
	p1 =	slt.s32 s11, $0x0;
	s6 =	sadd.s32 $0x3, s11  }
0x67: {  	s9 =	sand.u32 $0x300, s9;
	s23 =	sadd.s32 $0x1, s23;
	s11 =	smov.u32 @p1 s6  }
0x68: {  	[tilespmem:s22], [sflag:s18] =	stream.indirect.gather [hbm4b:s1+s17], $0x80, s9, s17, $0xb8;
	[tilespmem:$0x1E800] =	vst v63  }
0x69: {  	s4 =	smul.u32 $0xE000, s11  }
0x6a: {  	_ =	swait.ge [sflag:s10], $0x3800  }
0x6b: {  	[sflag:s10] =	ssyncset.done $0x0;
	s4 =	sshra.s32 s4, $0x2  }
0x6c: {  	s6 =	sadd.s32 $0x3, s11;
	[sflag:s10] =	ssyncadd.s32 $0xFFFFC800;
	s4 =	sor.u32 $0x400, s4  }
0x6d: {  	[spmem:s3] =	stream.indirect.scatter.add.f32 [tilespmem:s4], [sflag:s6], $0x80, s2, s17, $0xb8;
	[tilespmem:$0x1E800] =	vst v63  }
0x6e: {  	_ =	swait.ge [sflag:s29], $0x3800  }
0x6f: {  	[sflag:s29] =	ssyncset.done $0x0  }
0x70: {  	[sflag:s29] =	ssyncadd.s32 $0xFFFFC800  }
0x71: {  	_ =	swait.ge [sflag:s19], $0x100  }
0x72: {  	[sflag:s19] =	ssyncset.done $0x0  }
0x73: {  	s10 =	simm.s32 $0x7400;
	s4 =	simm.s32 $0x100;
	[sflag:s19] =	ssyncadd.s32 $0xFFFFFF00  }
0x74: {  	[tilespmem:s10], [sflag:$0x2] =	stream.indirect.gather [hbm4b:s1+s17], $0x80, s4, s17, $0xb8;
	[tilespmem:$0x1E800] =	vst v63  }
0x75: {  	_ =	swait.ge [sflag:s21], $0x3800  }
0x76: {  	[sflag:s21] =	ssyncset.done $0x0  }
0x77: {  	s11 =	simm.s32 $0x3C00;
	s12 =	simm.s32 $0x80;
	[sflag:s21] =	ssyncadd.s32 $0xFFFFC800  }
0x78: {  	[spmem:s3] =	stream.indirect.scatter.add.f32 [tilespmem:s11], [sflag:$0x4], $0x80, s12, s17, $0xb8;
	[tilespmem:$0x1E800] =	vst v63  }
0x79: {  	_ =	swait.ge [sflag:s30], $0x3800  }
0x7a: {  	[sflag:s30] =	ssyncset.done $0x0  }
0x7b: {  	[sflag:s30] =	ssyncadd.s32 $0xFFFFC800  }
0x7c: {  	_ =	swait.ge [sflag:s26], $0x3800  }
0x7d: {  	[sflag:s26] =	ssyncset.done $0x0  }
0x7e: {  	s15 =	simm.s32 $0x180;
	[sflag:s26] =	ssyncadd.s32 $0xFFFFC800  }
0x7f: {  	[spmem:s3] =	stream.indirect.scatter.add.f32 [tilespmem:s10], [sflag:$0x5], $0x80, s15, s17, $0xb8;
	[tilespmem:$0x1E800] =	vst v63  }
0x80: {  	_ =	swait.ge [sflag:s31], $0x3800  }
0x81: {  	[sflag:s31] =	ssyncset.done $0x0  }
0x82: {  	[sflag:s31] =	ssyncadd.s32 $0xFFFFC800  }
0x83: {  	_ =	swait.ge [sflag:s29], $0x3800  }
0x84: {  	[sflag:s29] =	ssyncset.done $0x0  }
0x85: {  	[sflag:s29] =	ssyncadd.s32 $0xFFFFC800  }
0x86: {  	[bflag:$0x0] =	sbarrier.arrive $0xFFFF  }
0x87: {  	s25 =	rddreg [dreg:$0xa]  }
0x88: {  	[hbm:s25], [sflag:s7] =	dma.local [spmem:s13], $0x2780  }
0x89: {  	_ =	swait.ge [sflag:s14], $0x2780  }
0x8a: {  	s0 =	sadd.s32 $0x1, s0;
	s28 =	rddreg [dreg:$0x9]  }
0x8b: {  	p0 =	sne.s32 s0, s28  }
.Ltmp1:
0x8c: {  	_ = 	snop;
	(pc) =	sbr.rel @p0 .LBB2_1-.Ltmp1, $3  }
0x8d: {  	_ =	sdelay $0x1  }
0x8e: {  	[sflag:s14] =	ssyncset.done $0x0  }
0x8f: {  	[sflag:s14] =	ssyncadd.s32 $0xFFFFD880  }
0x90: {  	_ =	sfence.sel $0x180000  }
0x91: {  	[bflag:$0x0] =	sbarrier.arrive $0xFFFF  }
0x92: {  	_ =	strace $0x90000047  }
0x93: {  	s0 =	stileid.u32;
	[bflag:$0x2] =	sbarrier.arrive $0xFFFF  }
0x94: {  	p0 =	sne.s32 s0, $0x0;
	s0 =	rddreg [dreg:$0x4]  }
0x95: {  	s0 =	sadd.s32 @!p0 $0x100000, s0  }
0x96: {  	[sflag:s0] =	ssyncadd.tile.s32 @!p0 $0x1;
	_ =	shalt  }
.Lfunc_end2:
_tile_overlayer_lowered:
.L_overlay_start_2:
0x97: {  	(tag) =	ssettag $0x2  }
0x98: {  	s0 =	rddreg [dreg:$0x0];
	s2 =	stileid.u32  }
0x99: {  	s1 =	rddreg [dreg:$0x1];
	p0 =	sne.s32 s2, $0x0  }
0x9a: {  	s3 =	rddreg [dreg:$0x2];
	[bflag:$0x3] =	sbarrier.arrive $0xFFFF;
	s2 =	simm.s32 @!p0 $0x1C08  }
0x9b: {  	[timem:s3], [sflag:s2] =	dma.local @!p0 [hbm:s0], s1  }
0x9c: {  	s0 =	simm.s32 @!p0 $0x8  }
0x9d: {  	_ =	swait.ge @!p0 [sflag:s0], s1  }
0x9e: {  	s1 =	ssub.s32 @!p0 $0x0, s1;
	[sflag:s0] =	ssyncset.done @!p0 $0x0  }
0x9f: {  	[sflag:s0] =	ssyncadd.s32 @!p0 s1  }
0xa0: {  	[bflag:$0x3] =	sbarrier.arrive $0xFFFF  }
0xa1: {  	_ =	shalt  }

</sc_bundles>
